<compile_context>
chip_gen: v7x
topology: tpu7x:2x2x1
jax: 0.10.2.dev20260603
libtpu: 0.0.44.dev20260713+nightly
codegen_flags: <defaults>
</compile_context>

<pallas_src>
import functools

import jax
import jax.numpy as jnp
from jax import lax
from jax.experimental import pallas as pl
from jax.experimental.pallas import tpu as pltpu
from jax.experimental.pallas import tpu_sc as plsc

B = 16384
EMBED_K = 64
FEAT_DIM = 512

_NC = 2
_NS = 16
_NW = _NC * _NS
_BPW = B // _NW

_FCHUNK = 64
_NFCHUNK = _BPW // _FCHUNK
_TCHUNK = 128
_NTCHUNK = _BPW // _TCHUNK


def _sc_gather_f(items, F_feat, off, bh):
    mesh = plsc.VectorSubcoreMesh(core_axis_name="c", subcore_axis_name="s")

    nbuf = 3
    bpw = bh // _NW
    nchunk = bpw // _FCHUNK

    @functools.partial(
        pl.kernel,
        mesh=mesh,
        out_type=jax.ShapeDtypeStruct((bh, FEAT_DIM), jnp.float32),
        scratch_types=[
            pltpu.VMEM((bpw,), jnp.int32),
            pltpu.VMEM((nbuf, _FCHUNK, FEAT_DIM), jnp.float32),
            [pltpu.SemaphoreType.DMA] * nbuf,
            [pltpu.SemaphoreType.DMA] * nbuf,
        ],
    )
    def k(items_hbm, f_hbm, effe_out, iidx_v, rows_v, gsems, wsems):
        _BPW = bpw
        _NFCHUNK = nchunk
        wid = lax.axis_index("s") * _NC + lax.axis_index("c")
        base = wid * _BPW
        pltpu.sync_copy(items_hbm.at[pl.ds(off + base, _BPW)], iidx_v)
        gcopies = [None] * nbuf
        wcopies = [None] * nbuf
        for c in range(min(nbuf, _NFCHUNK)):
            gcopies[c] = pltpu.async_copy(
                f_hbm.at[iidx_v.at[pl.ds(c * _FCHUNK, _FCHUNK)]],
                rows_v.at[c], gsems[c])
        for c in range(_NFCHUNK):
            s = c % nbuf
            gcopies[s].wait()
            wcopies[s] = pltpu.async_copy(
                rows_v.at[s], effe_out.at[pl.ds(base + c * _FCHUNK, _FCHUNK)],
                wsems[s])
            nxt = c + nbuf
            if nxt < _NFCHUNK:
                wcopies[s].wait()
                gcopies[s] = pltpu.async_copy(
                    f_hbm.at[iidx_v.at[pl.ds(nxt * _FCHUNK, _FCHUNK)]],
                    rows_v.at[s], gsems[s])
        for c in range(max(_NFCHUNK - nbuf, 0), _NFCHUNK):
            wcopies[c % nbuf].wait()

    return k(items, F_feat)


def _sc_gather_tu(upairs, Tu_pairs):
    mesh = plsc.VectorSubcoreMesh(core_axis_name="c", subcore_axis_name="s")

    @functools.partial(
        pl.kernel,
        mesh=mesh,
        out_type=jax.ShapeDtypeStruct((B, 2 * EMBED_K), jnp.float32),
        scratch_types=[
            pltpu.VMEM((_BPW,), jnp.int32),
            pltpu.VMEM((2, _TCHUNK, 2 * EMBED_K), jnp.float32),
            pltpu.SemaphoreType.DMA,
            pltpu.SemaphoreType.DMA,
        ],
    )
    def k(upairs_hbm, tu_hbm, theta_out, uidx_v, rows_v, sem0, sem1):
        wid = lax.axis_index("s") * _NC + lax.axis_index("c")
        base = wid * _BPW
        pltpu.sync_copy(upairs_hbm.at[pl.ds(base, _BPW)], uidx_v)
        sems = (sem0, sem1)
        copies = [None, None]
        copies[0] = pltpu.async_copy(
            tu_hbm.at[uidx_v.at[pl.ds(0, _TCHUNK)]], rows_v.at[0], sems[0])
        for c in range(_NTCHUNK):
            nxt = c + 1
            if nxt < _NTCHUNK:
                copies[nxt % 2] = pltpu.async_copy(
                    tu_hbm.at[uidx_v.at[pl.ds(nxt * _TCHUNK, _TCHUNK)]],
                    rows_v.at[nxt % 2], sems[nxt % 2])
            copies[c % 2].wait()
            pltpu.sync_copy(rows_v.at[c % 2],
                            theta_out.at[pl.ds(base + c * _TCHUNK, _TCHUNK)])

    return k(upairs, Tu_pairs)


_PLANES = 8192
_PSHIFT = _PLANES.bit_length() - 1
_HALF = _PLANES // 2


def _tc_pairs(TuT):
    NU = TuT.shape[1]
    nb = (NU + _PLANES - 1) // _PLANES
    half = _HALF

    def body(x_ref, o_ref):
        y = jnp.transpose(x_ref[...])
        o_ref[...] = jnp.concatenate(
            [lax.slice(y, (0, 0), (half, EMBED_K)),
             lax.slice(y, (half, 0), (_PLANES, EMBED_K))], axis=1)

    return pl.pallas_call(
        body,
        grid=(nb,),
        in_specs=[pl.BlockSpec((EMBED_K, _PLANES), lambda i: (0, i))],
        out_specs=pl.BlockSpec((half, 2 * EMBED_K), lambda i: (i, 0)),
        out_shape=jax.ShapeDtypeStruct((nb * half, 2 * EMBED_K), jnp.float32),
    )(TuT)


_TBLK = 2048


def _tc_gammas(guT, giT):
    def body(a_ref, b_ref, oa_ref, ob_ref):
        oa_ref[...] = a_ref[...]
        ob_ref[...] = b_ref[...]

    return pl.pallas_call(
        body,
        grid=(B // _TBLK,),
        in_specs=[
            pl.BlockSpec((EMBED_K, _TBLK), lambda i: (0, i)),
            pl.BlockSpec((EMBED_K, _TBLK), lambda i: (0, i)),
        ],
        out_specs=[
            pl.BlockSpec((EMBED_K, _TBLK), lambda i: (0, i)),
            pl.BlockSpec((EMBED_K, _TBLK), lambda i: (0, i)),
        ],
        out_shape=[
            jax.ShapeDtypeStruct((EMBED_K, B), jnp.float32),
            jax.ShapeDtypeStruct((EMBED_K, B), jnp.float32),
        ],
    )(guT, giT)


def _tc_dense_body(guT_ref, giT_ref, theta2_ref, upar_ref, effe_ref, w_ref,
                   b_ref, xui_ref, thetaT_ref, projT_ref):
    proj = jnp.dot(effe_ref[...], w_ref[...],
                   preferred_element_type=jnp.float32)
    par = (lax.shift_right_logical(upar_ref[...], _PSHIFT - 1) & 1)[:, None]
    theta = jnp.where(par == 1, theta2_ref[:, EMBED_K:], theta2_ref[:, :EMBED_K])
    projT = jnp.transpose(proj) + b_ref[...]
    thetaT = jnp.transpose(theta)
    ones = jnp.ones((1, EMBED_K), jnp.float32)
    sT = jnp.dot(ones, projT * projT, preferred_element_type=jnp.float32)
    invT = jnp.where(sT > 1e-24, lax.rsqrt(sT), 1e12)
    proj_iT = projT * invT
    guT = guT_ref[...]
    giT = giT_ref[...]
    xui = jnp.dot(ones, guT * giT + thetaT * proj_iT,
                  preferred_element_type=jnp.float32)
    xui_ref[...] = xui[None]
    thetaT_ref[...] = thetaT
    projT_ref[...] = proj_iT


def _tc_dense(guT, giT, theta2, users, effe_i, proj_W, proj_b):
    return pl.pallas_call(
        _tc_dense_body,
        grid=(B // _TBLK,),
        in_specs=[
            pl.BlockSpec((EMBED_K, _TBLK), lambda i: (0, i)),
            pl.BlockSpec((EMBED_K, _TBLK), lambda i: (0, i)),
            pl.BlockSpec((_TBLK, 2 * EMBED_K), lambda i: (i, 0)),
            pl.BlockSpec((_TBLK,), lambda i: (i,)),
            pl.BlockSpec((_TBLK, FEAT_DIM), lambda i: (i, 0)),
            pl.BlockSpec((FEAT_DIM, EMBED_K), lambda i: (0, 0)),
            pl.BlockSpec((EMBED_K, 1), lambda i: (0, 0)),
        ],
        out_specs=[
            pl.BlockSpec((1, 1, _TBLK), lambda i: (i, 0, 0)),
            pl.BlockSpec((EMBED_K, _TBLK), lambda i: (0, i)),
            pl.BlockSpec((EMBED_K, _TBLK), lambda i: (0, i)),
        ],
        out_shape=[
            jax.ShapeDtypeStruct((B // _TBLK, 1, _TBLK), jnp.float32),
            jax.ShapeDtypeStruct((EMBED_K, B), jnp.float32),
            jax.ShapeDtypeStruct((EMBED_K, B), jnp.float32),
        ],
    )(guT, giT, theta2, users, effe_i, proj_W,
      jnp.reshape(proj_b, (EMBED_K, 1)))


def kernel(gu, gi, users, items, Tu_weight, F_feat, proj_W, proj_b):
    effe_i = _sc_gather_f(items, F_feat, 0, B)
    Tu_pairs = _tc_pairs(jnp.transpose(Tu_weight))
    zidx = (lax.shift_right_logical(users, _PSHIFT) * _HALF
            + (users & (_HALF - 1)))
    zidx, effe_i = lax.optimization_barrier((zidx, effe_i))
    theta2 = _sc_gather_tu(zidx, Tu_pairs)
    gammaT_u, gammaT_i = _tc_gammas(jnp.transpose(gu), jnp.transpose(gi))
    xui2, thetaT, projT = _tc_dense(
        jnp.transpose(gu), jnp.transpose(gi), theta2, users, effe_i,
        proj_W, proj_b)
    return (jnp.reshape(xui2, (B,)), jnp.transpose(gammaT_u),
            jnp.transpose(gammaT_i), jnp.transpose(thetaT),
            jnp.transpose(projT))

# --- scband reference (transcript-rebuilt; emitter-appended) ---
"""Pipeline reference for scband-light-gcnmmodel-28157805592960 (READ-ONLY COPY).

The authoritative reference and input builder live on the scoring server;
editing this copy changes nothing except your own understanding.
"""

import jax, jax.numpy as jnp
import numpy as np

NUM_USERS = 100000
NUM_ITEMS = 100000
EMBED_K = 64
FEAT_DIM = 512
B = 16384


def setup_inputs(seed: int = 0) -> dict:
    key = jax.random.key(seed)
    ks = jax.random.split(key, 8)
    gu = jax.random.normal(ks[0], (B, EMBED_K), dtype=jnp.float32)
    gi = jax.random.normal(ks[1], (B, EMBED_K), dtype=jnp.float32)
    users = jax.random.randint(ks[2], (B,), 0, NUM_USERS, dtype=jnp.int32)
    items = jax.random.randint(ks[3], (B,), 0, NUM_ITEMS, dtype=jnp.int32)
    # learned parameters
    Tu_weight = jax.random.normal(ks[4], (NUM_USERS, EMBED_K), dtype=jnp.float32) * 0.1
    F_feat = jax.random.normal(ks[5], (NUM_ITEMS, FEAT_DIM), dtype=jnp.float32)
    limit = float(np.sqrt(1.0 / FEAT_DIM))
    proj_W = jax.random.uniform(ks[6], (FEAT_DIM, EMBED_K), dtype=jnp.float32, minval=-limit, maxval=limit)
    proj_b = jnp.zeros((EMBED_K,), dtype=jnp.float32)
    return {
        'gu': gu,
        'gi': gi,
        'users': users,
        'items': items,
        'Tu_weight': Tu_weight,
        'F_feat': F_feat,
        'proj_W': proj_W,
        'proj_b': proj_b,
    }


def _l2_normalize(x, axis=1, eps=1e-12):
    # matches torch.nn.functional.normalize(p=2): x / max(||x||, eps)
    nrm = jnp.sqrt(jnp.sum(x * x, axis=axis, keepdims=True))
    return x / jnp.maximum(nrm, eps)


def reference(gu, gi, users, items, Tu_weight, F_feat, proj_W, proj_b):
    gamma_u = jnp.squeeze(gu)
    gamma_i = jnp.squeeze(gi)
    # embedding gathers (SparseCore-mappable)
    theta_u = jnp.squeeze(jnp.take(Tu_weight, users, axis=0))
    effe_i = jnp.squeeze(jnp.take(F_feat, items, axis=0))
    proj = effe_i @ proj_W + proj_b
    proj_i = _l2_normalize(proj, axis=1)
    xui = jnp.sum(gamma_u * gamma_i, axis=1) + jnp.sum(theta_u * proj_i, axis=1)
    return (xui, gamma_u, gamma_i, theta_u, proj_i)

if __name__ == "__main__":
    import jax
    _d = setup_inputs()
    print(jax.jit(kernel)(*tuple(_d.values())))

</pallas_src>

<mosaic_0001>
#map = affine_map<(d0, d1) -> (0)>
#map1 = affine_map<(d0, d1) -> (0, 0)>
module attributes {stable_mosaic.version = 14 : i64} {
  func.func @k(%arg0: i32, %arg1: i32, %arg2: memref<16384xi32, #tpu.memory_space<hbm>>, %arg3: memref<53248x128xf32, #tpu.memory_space<hbm>>, %arg4: memref<16384x128xf32, #tpu.memory_space<hbm>>, %arg5: memref<512xi32, #tpu.memory_space<vmem>>, %arg6: memref<2x128x128xf32, #tpu.memory_space<vmem>>, %arg7: memref<!tpu.dma_semaphore, #tpu.memory_space<semaphore_mem>>, %arg8: memref<!tpu.dma_semaphore, #tpu.memory_space<semaphore_mem>>) attributes {dimension_semantics = [#tpu.dimension_semantics<core_parallel>, #tpu.dimension_semantics<subcore_parallel>], iteration_bounds = array<i64: 2, 16>, scalar_prefetch = 0 : i64, scratch_operands = 4 : i64, tpu.core_type = #tpu.core_type<sc_vector_subcore>, window_params = [{transform_indices = #map}, {transform_indices = #map1}, {transform_indices = #map1}]} {
    %mul3A = arith.constant 2 : i32
    %mul3A_0 = arith.muli %arg1, %mul3A : i32
    %add3A = arith.addi %mul3A_0, %arg0 : i32
    %mul3A_1 = arith.constant 512 : i32
    %mul3A_2 = arith.muli %add3A, %mul3A_1 : i32
    "tpu.region"() ({
      %run_scoped3A_92 = tpu.sem_alloc : memref<!tpu.dma_semaphore, #tpu.memory_space<semaphore_mem>>
      %dma_start3A_93 = tpu.memref_slice %arg2[%mul3A_2] : memref<16384xi32, #tpu.memory_space<hbm>> -> memref<512xi32, #tpu.memory_space<hbm>>
      %dma_start3A_94 = tpu.memref_slice %arg2[%mul3A_2] : memref<16384xi32, #tpu.memory_space<hbm>> -> memref<512xi32, #tpu.memory_space<hbm>>
      tpu.enqueue_dma source(%dma_start3A_94 : memref<512xi32, #tpu.memory_space<hbm>>) target(%arg5 : memref<512xi32, #tpu.memory_space<vmem>>) target_semaphore(%run_scoped3A_92 : memref<!tpu.dma_semaphore, #tpu.memory_space<semaphore_mem>>)
      %dma_wait3A_95 = tpu.memref_slice %arg2[%mul3A_2] : memref<16384xi32, #tpu.memory_space<hbm>> -> memref<512xi32, #tpu.memory_space<hbm>>
      %dma_wait3A_96 = tpu.memref_slice %arg2[%mul3A_2] : memref<16384xi32, #tpu.memory_space<hbm>> -> memref<512xi32, #tpu.memory_space<hbm>>
      tpu.wait_dma2 semaphore(%run_scoped3A_92 : memref<!tpu.dma_semaphore, #tpu.memory_space<semaphore_mem>>) src(%dma_wait3A_96 : memref<512xi32, #tpu.memory_space<hbm>>) dst(%arg5 : memref<512xi32, #tpu.memory_space<vmem>>)
      tpu.yield
    }) : () -> ()
    %dma_start3A = arith.constant 0 : i32
    %dma_start3A_3 = arith.constant 0 : i32
    %dma_start3A_4 = arith.constant 0 : i32
    %dma_start3A_5 = tpu.memref_slice %arg6[%dma_start3A, %dma_start3A_3, %dma_start3A_4] : memref<2x128x128xf32, #tpu.memory_space<vmem>> -> memref<1x128x128xf32, #tpu.memory_space<vmem>>
    %dma_start3A_6 = tpu.memref_squeeze %dma_start3A_5 : memref<1x128x128xf32, #tpu.memory_space<vmem>> -> memref<128x128xf32, #tpu.memory_space<vmem>>
    %dma_start3A_7 = arith.constant 0 : i32
    %dma_start3A_8 = tpu.memref_slice %arg5[%dma_start3A_7] : memref<512xi32, #tpu.memory_space<vmem>> -> memref<128xi32, #tpu.memory_space<vmem>>
    %dma_start3A_9 = arith.constant 0 : i32
    %dma_start3A_10 = arith.constant 0 : i32
    %dma_start3A_11 = tpu.memref_slice %arg3[%dma_start3A_9, %dma_start3A_10] : memref<53248x128xf32, #tpu.memory_space<hbm>> -> memref<53248x128xf32, #tpu.memory_space<hbm>>
    tpu.enqueue_indirect_dma source(%dma_start3A_11 : memref<53248x128xf32, #tpu.memory_space<hbm>>) target(%dma_start3A_6 : memref<128x128xf32, #tpu.memory_space<vmem>>) offsets(%dma_start3A_8 : memref<128xi32, #tpu.memory_space<vmem>>) semaphore(%arg7 : memref<!tpu.dma_semaphore, #tpu.memory_space<semaphore_mem>>)
    %dma_start3A_12 = arith.constant 1 : i32
    %dma_start3A_13 = arith.constant 0 : i32
    %dma_start3A_14 = arith.constant 0 : i32
    %dma_start3A_15 = tpu.memref_slice %arg6[%dma_start3A_12, %dma_start3A_13, %dma_start3A_14] : memref<2x128x128xf32, #tpu.memory_space<vmem>> -> memref<1x128x128xf32, #tpu.memory_space<vmem>>
    %dma_start3A_16 = tpu.memref_squeeze %dma_start3A_15 : memref<1x128x128xf32, #tpu.memory_space<vmem>> -> memref<128x128xf32, #tpu.memory_space<vmem>>
    %dma_start3A_17 = arith.constant 128 : i32
    %dma_start3A_18 = tpu.memref_slice %arg5[%dma_start3A_17] : memref<512xi32, #tpu.memory_space<vmem>> -> memref<128xi32, #tpu.memory_space<vmem>>
    %dma_start3A_19 = arith.constant 0 : i32
    %dma_start3A_20 = arith.constant 0 : i32
    %dma_start3A_21 = tpu.memref_slice %arg3[%dma_start3A_19, %dma_start3A_20] : memref<53248x128xf32, #tpu.memory_space<hbm>> -> memref<53248x128xf32, #tpu.memory_space<hbm>>
    tpu.enqueue_indirect_dma source(%dma_start3A_21 : memref<53248x128xf32, #tpu.memory_space<hbm>>) target(%dma_start3A_16 : memref<128x128xf32, #tpu.memory_space<vmem>>) offsets(%dma_start3A_18 : memref<128xi32, #tpu.memory_space<vmem>>) semaphore(%arg8 : memref<!tpu.dma_semaphore, #tpu.memory_space<semaphore_mem>>)
    %dma_wait3A = arith.constant 0 : i32
    %dma_wait3A_22 = arith.constant 0 : i32
    %dma_wait3A_23 = arith.constant 0 : i32
    %dma_wait3A_24 = tpu.memref_slice %arg6[%dma_wait3A, %dma_wait3A_22, %dma_wait3A_23] : memref<2x128x128xf32, #tpu.memory_space<vmem>> -> memref<1x128x128xf32, #tpu.memory_space<vmem>>
    %dma_wait3A_25 = tpu.memref_squeeze %dma_wait3A_24 : memref<1x128x128xf32, #tpu.memory_space<vmem>> -> memref<128x128xf32, #tpu.memory_space<vmem>>
    %dma_wait3A_26 = arith.constant 0 : i32
    %dma_wait3A_27 = tpu.memref_slice %arg5[%dma_wait3A_26] : memref<512xi32, #tpu.memory_space<vmem>> -> memref<128xi32, #tpu.memory_space<vmem>>
    %dma_wait3A_28 = arith.constant 0 : i32
    %dma_wait3A_29 = arith.constant 0 : i32
    %dma_wait3A_30 = tpu.memref_slice %arg3[%dma_wait3A_28, %dma_wait3A_29] : memref<53248x128xf32, #tpu.memory_space<hbm>> -> memref<53248x128xf32, #tpu.memory_space<hbm>>
    tpu.wait_indirect_dma semaphore(%arg7 : memref<!tpu.dma_semaphore, #tpu.memory_space<semaphore_mem>>) src(%dma_wait3A_30 : memref<53248x128xf32, #tpu.memory_space<hbm>>) dst(%dma_wait3A_25 : memref<128x128xf32, #tpu.memory_space<vmem>>)
    %add3A_31 = arith.constant 0 : i32
    %add3A_32 = arith.addi %mul3A_2, %add3A_31 : i32
    %run_scoped3A = arith.constant 0 : i32
    "tpu.region"() ({
      %run_scoped3A_92 = tpu.sem_alloc : memref<!tpu.dma_semaphore, #tpu.memory_space<semaphore_mem>>
      %dma_start3A_93 = arith.constant 0 : i32
      %dma_start3A_94 = arith.constant 0 : i32
      %dma_start3A_95 = tpu.memref_slice %arg6[%run_scoped3A, %dma_start3A_93, %dma_start3A_94] : memref<2x128x128xf32, #tpu.memory_space<vmem>> -> memref<1x128x128xf32, #tpu.memory_space<vmem>>
      %dma_start3A_96 = tpu.memref_squeeze %dma_start3A_95 : memref<1x128x128xf32, #tpu.memory_space<vmem>> -> memref<128x128xf32, #tpu.memory_space<vmem>>
      %dma_start3A_97 = arith.constant 0 : i32
      %dma_start3A_98 = tpu.memref_slice %arg4[%add3A_32, %dma_start3A_97] : memref<16384x128xf32, #tpu.memory_space<hbm>> -> memref<128x128xf32, #tpu.memory_space<hbm>>
      %dma_start3A_99 = arith.constant 0 : i32
      %dma_start3A_100 = tpu.memref_slice %arg4[%add3A_32, %dma_start3A_99] : memref<16384x128xf32, #tpu.memory_space<hbm>> -> memref<128x128xf32, #tpu.memory_space<hbm>>
      %dma_start3A_101 = arith.constant 0 : i32
      %dma_start3A_102 = arith.constant 0 : i32
      %dma_start3A_103 = tpu.memref_slice %arg6[%run_scoped3A, %dma_start3A_101, %dma_start3A_102] : memref<2x128x128xf32, #tpu.memory_space<vmem>> -> memref<1x128x128xf32, #tpu.memory_space<vmem>>
      %dma_start3A_104 = tpu.memref_squeeze %dma_start3A_103 : memref<1x128x128xf32, #tpu.memory_space<vmem>> -> memref<128x128xf32, #tpu.memory_space<vmem>>
      tpu.enqueue_dma source(%dma_start3A_104 : memref<128x128xf32, #tpu.memory_space<vmem>>) target(%dma_start3A_100 : memref<128x128xf32, #tpu.memory_space<hbm>>) target_semaphore(%run_scoped3A_92 : memref<!tpu.dma_semaphore, #tpu.memory_space<semaphore_mem>>)
      %dma_wait3A_105 = arith.constant 0 : i32
      %dma_wait3A_106 = arith.constant 0 : i32
      %dma_wait3A_107 = tpu.memref_slice %arg6[%run_scoped3A, %dma_wait3A_105, %dma_wait3A_106] : memref<2x128x128xf32, #tpu.memory_space<vmem>> -> memref<1x128x128xf32, #tpu.memory_space<vmem>>
      %dma_wait3A_108 = tpu.memref_squeeze %dma_wait3A_107 : memref<1x128x128xf32, #tpu.memory_space<vmem>> -> memref<128x128xf32, #tpu.memory_space<vmem>>
      %dma_wait3A_109 = arith.constant 0 : i32
      %dma_wait3A_110 = tpu.memref_slice %arg4[%add3A_32, %dma_wait3A_109] : memref<16384x128xf32, #tpu.memory_space<hbm>> -> memref<128x128xf32, #tpu.memory_space<hbm>>
      %dma_wait3A_111 = arith.constant 0 : i32
      %dma_wait3A_112 = tpu.memref_slice %arg4[%add3A_32, %dma_wait3A_111] : memref<16384x128xf32, #tpu.memory_space<hbm>> -> memref<128x128xf32, #tpu.memory_space<hbm>>
      %dma_wait3A_113 = arith.constant 0 : i32
      %dma_wait3A_114 = arith.constant 0 : i32
      %dma_wait3A_115 = tpu.memref_slice %arg6[%run_scoped3A, %dma_wait3A_113, %dma_wait3A_114] : memref<2x128x128xf32, #tpu.memory_space<vmem>> -> memref<1x128x128xf32, #tpu.memory_space<vmem>>
      %dma_wait3A_116 = tpu.memref_squeeze %dma_wait3A_115 : memref<1x128x128xf32, #tpu.memory_space<vmem>> -> memref<128x128xf32, #tpu.memory_space<vmem>>
      tpu.wait_dma2 semaphore(%run_scoped3A_92 : memref<!tpu.dma_semaphore, #tpu.memory_space<semaphore_mem>>) src(%dma_wait3A_116 : memref<128x128xf32, #tpu.memory_space<vmem>>) dst(%dma_wait3A_112 : memref<128x128xf32, #tpu.memory_space<hbm>>)
      tpu.yield
    }) : () -> ()
    %dma_start3A_33 = arith.constant 0 : i32
    %dma_start3A_34 = arith.constant 0 : i32
    %dma_start3A_35 = arith.constant 0 : i32
    %dma_start3A_36 = tpu.memref_slice %arg6[%dma_start3A_33, %dma_start3A_34, %dma_start3A_35] : memref<2x128x128xf32, #tpu.memory_space<vmem>> -> memref<1x128x128xf32, #tpu.memory_space<vmem>>
    %dma_start3A_37 = tpu.memref_squeeze %dma_start3A_36 : memref<1x128x128xf32, #tpu.memory_space<vmem>> -> memref<128x128xf32, #tpu.memory_space<vmem>>
    %dma_start3A_38 = arith.constant 256 : i32
    %dma_start3A_39 = tpu.memref_slice %arg5[%dma_start3A_38] : memref<512xi32, #tpu.memory_space<vmem>> -> memref<128xi32, #tpu.memory_space<vmem>>
    %dma_start3A_40 = arith.constant 0 : i32
    %dma_start3A_41 = arith.constant 0 : i32
    %dma_start3A_42 = tpu.memref_slice %arg3[%dma_start3A_40, %dma_start3A_41] : memref<53248x128xf32, #tpu.memory_space<hbm>> -> memref<53248x128xf32, #tpu.memory_space<hbm>>
    tpu.enqueue_indirect_dma source(%dma_start3A_42 : memref<53248x128xf32, #tpu.memory_space<hbm>>) target(%dma_start3A_37 : memref<128x128xf32, #tpu.memory_space<vmem>>) offsets(%dma_start3A_39 : memref<128xi32, #tpu.memory_space<vmem>>) semaphore(%arg7 : memref<!tpu.dma_semaphore, #tpu.memory_space<semaphore_mem>>)
    %dma_wait3A_43 = arith.constant 1 : i32
    %dma_wait3A_44 = arith.constant 0 : i32
    %dma_wait3A_45 = arith.constant 0 : i32
    %dma_wait3A_46 = tpu.memref_slice %arg6[%dma_wait3A_43, %dma_wait3A_44, %dma_wait3A_45] : memref<2x128x128xf32, #tpu.memory_space<vmem>> -> memref<1x128x128xf32, #tpu.memory_space<vmem>>
    %dma_wait3A_47 = tpu.memref_squeeze %dma_wait3A_46 : memref<1x128x128xf32, #tpu.memory_space<vmem>> -> memref<128x128xf32, #tpu.memory_space<vmem>>
    %dma_wait3A_48 = arith.constant 128 : i32
    %dma_wait3A_49 = tpu.memref_slice %arg5[%dma_wait3A_48] : memref<512xi32, #tpu.memory_space<vmem>> -> memref<128xi32, #tpu.memory_space<vmem>>
    %dma_wait3A_50 = arith.constant 0 : i32
    %dma_wait3A_51 = arith.constant 0 : i32
    %dma_wait3A_52 = tpu.memref_slice %arg3[%dma_wait3A_50, %dma_wait3A_51] : memref<53248x128xf32, #tpu.memory_space<hbm>> -> memref<53248x128xf32, #tpu.memory_space<hbm>>
    tpu.wait_indirect_dma semaphore(%arg8 : memref<!tpu.dma_semaphore, #tpu.memory_space<semaphore_mem>>) src(%dma_wait3A_52 : memref<53248x128xf32, #tpu.memory_space<hbm>>) dst(%dma_wait3A_47 : memref<128x128xf32, #tpu.memory_space<vmem>>)
    %add3A_53 = arith.constant 128 : i32
    %add3A_54 = arith.addi %mul3A_2, %add3A_53 : i32
    %run_scoped3A_55 = arith.constant 1 : i32
    "tpu.region"() ({
      %run_scoped3A_92 = tpu.sem_alloc : memref<!tpu.dma_semaphore, #tpu.memory_space<semaphore_mem>>
      %dma_start3A_93 = arith.constant 0 : i32
      %dma_start3A_94 = arith.constant 0 : i32
      %dma_start3A_95 = tpu.memref_slice %arg6[%run_scoped3A_55, %dma_start3A_93, %dma_start3A_94] : memref<2x128x128xf32, #tpu.memory_space<vmem>> -> memref<1x128x128xf32, #tpu.memory_space<vmem>>
      %dma_start3A_96 = tpu.memref_squeeze %dma_start3A_95 : memref<1x128x128xf32, #tpu.memory_space<vmem>> -> memref<128x128xf32, #tpu.memory_space<vmem>>
      %dma_start3A_97 = arith.constant 0 : i32
      %dma_start3A_98 = tpu.memref_slice %arg4[%add3A_54, %dma_start3A_97] : memref<16384x128xf32, #tpu.memory_space<hbm>> -> memref<128x128xf32, #tpu.memory_space<hbm>>
      %dma_start3A_99 = arith.constant 0 : i32
      %dma_start3A_100 = tpu.memref_slice %arg4[%add3A_54, %dma_start3A_99] : memref<16384x128xf32, #tpu.memory_space<hbm>> -> memref<128x128xf32, #tpu.memory_space<hbm>>
      %dma_start3A_101 = arith.constant 0 : i32
      %dma_start3A_102 = arith.constant 0 : i32
      %dma_start3A_103 = tpu.memref_slice %arg6[%run_scoped3A_55, %dma_start3A_101, %dma_start3A_102] : memref<2x128x128xf32, #tpu.memory_space<vmem>> -> memref<1x128x128xf32, #tpu.memory_space<vmem>>
      %dma_start3A_104 = tpu.memref_squeeze %dma_start3A_103 : memref<1x128x128xf32, #tpu.memory_space<vmem>> -> memref<128x128xf32, #tpu.memory_space<vmem>>
      tpu.enqueue_dma source(%dma_start3A_104 : memref<128x128xf32, #tpu.memory_space<vmem>>) target(%dma_start3A_100 : memref<128x128xf32, #tpu.memory_space<hbm>>) target_semaphore(%run_scoped3A_92 : memref<!tpu.dma_semaphore, #tpu.memory_space<semaphore_mem>>)
      %dma_wait3A_105 = arith.constant 0 : i32
      %dma_wait3A_106 = arith.constant 0 : i32
      %dma_wait3A_107 = tpu.memref_slice %arg6[%run_scoped3A_55, %dma_wait3A_105, %dma_wait3A_106] : memref<2x128x128xf32, #tpu.memory_space<vmem>> -> memref<1x128x128xf32, #tpu.memory_space<vmem>>
      %dma_wait3A_108 = tpu.memref_squeeze %dma_wait3A_107 : memref<1x128x128xf32, #tpu.memory_space<vmem>> -> memref<128x128xf32, #tpu.memory_space<vmem>>
      %dma_wait3A_109 = arith.constant 0 : i32
      %dma_wait3A_110 = tpu.memref_slice %arg4[%add3A_54, %dma_wait3A_109] : memref<16384x128xf32, #tpu.memory_space<hbm>> -> memref<128x128xf32, #tpu.memory_space<hbm>>
      %dma_wait3A_111 = arith.constant 0 : i32
      %dma_wait3A_112 = tpu.memref_slice %arg4[%add3A_54, %dma_wait3A_111] : memref<16384x128xf32, #tpu.memory_space<hbm>> -> memref<128x128xf32, #tpu.memory_space<hbm>>
      %dma_wait3A_113 = arith.constant 0 : i32
      %dma_wait3A_114 = arith.constant 0 : i32
      %dma_wait3A_115 = tpu.memref_slice %arg6[%run_scoped3A_55, %dma_wait3A_113, %dma_wait3A_114] : memref<2x128x128xf32, #tpu.memory_space<vmem>> -> memref<1x128x128xf32, #tpu.memory_space<vmem>>
      %dma_wait3A_116 = tpu.memref_squeeze %dma_wait3A_115 : memref<1x128x128xf32, #tpu.memory_space<vmem>> -> memref<128x128xf32, #tpu.memory_space<vmem>>
      tpu.wait_dma2 semaphore(%run_scoped3A_92 : memref<!tpu.dma_semaphore, #tpu.memory_space<semaphore_mem>>) src(%dma_wait3A_116 : memref<128x128xf32, #tpu.memory_space<vmem>>) dst(%dma_wait3A_112 : memref<128x128xf32, #tpu.memory_space<hbm>>)
      tpu.yield
    }) : () -> ()
    %dma_start3A_56 = arith.constant 1 : i32
    %dma_start3A_57 = arith.constant 0 : i32
    %dma_start3A_58 = arith.constant 0 : i32
    %dma_start3A_59 = tpu.memref_slice %arg6[%dma_start3A_56, %dma_start3A_57, %dma_start3A_58] : memref<2x128x128xf32, #tpu.memory_space<vmem>> -> memref<1x128x128xf32, #tpu.memory_space<vmem>>
    %dma_start3A_60 = tpu.memref_squeeze %dma_start3A_59 : memref<1x128x128xf32, #tpu.memory_space<vmem>> -> memref<128x128xf32, #tpu.memory_space<vmem>>
    %dma_start3A_61 = arith.constant 384 : i32
    %dma_start3A_62 = tpu.memref_slice %arg5[%dma_start3A_61] : memref<512xi32, #tpu.memory_space<vmem>> -> memref<128xi32, #tpu.memory_space<vmem>>
    %dma_start3A_63 = arith.constant 0 : i32
    %dma_start3A_64 = arith.constant 0 : i32
    %dma_start3A_65 = tpu.memref_slice %arg3[%dma_start3A_63, %dma_start3A_64] : memref<53248x128xf32, #tpu.memory_space<hbm>> -> memref<53248x128xf32, #tpu.memory_space<hbm>>
    tpu.enqueue_indirect_dma source(%dma_start3A_65 : memref<53248x128xf32, #tpu.memory_space<hbm>>) target(%dma_start3A_60 : memref<128x128xf32, #tpu.memory_space<vmem>>) offsets(%dma_start3A_62 : memref<128xi32, #tpu.memory_space<vmem>>) semaphore(%arg8 : memref<!tpu.dma_semaphore, #tpu.memory_space<semaphore_mem>>)
    %dma_wait3A_66 = arith.constant 0 : i32
    %dma_wait3A_67 = arith.constant 0 : i32
    %dma_wait3A_68 = arith.constant 0 : i32
    %dma_wait3A_69 = tpu.memref_slice %arg6[%dma_wait3A_66, %dma_wait3A_67, %dma_wait3A_68] : memref<2x128x128xf32, #tpu.memory_space<vmem>> -> memref<1x128x128xf32, #tpu.memory_space<vmem>>
    %dma_wait3A_70 = tpu.memref_squeeze %dma_wait3A_69 : memref<1x128x128xf32, #tpu.memory_space<vmem>> -> memref<128x128xf32, #tpu.memory_space<vmem>>
    %dma_wait3A_71 = arith.constant 256 : i32
    %dma_wait3A_72 = tpu.memref_slice %arg5[%dma_wait3A_71] : memref<512xi32, #tpu.memory_space<vmem>> -> memref<128xi32, #tpu.memory_space<vmem>>
    %dma_wait3A_73 = arith.constant 0 : i32
    %dma_wait3A_74 = arith.constant 0 : i32
    %dma_wait3A_75 = tpu.memref_slice %arg3[%dma_wait3A_73, %dma_wait3A_74] : memref<53248x128xf32, #tpu.memory_space<hbm>> -> memref<53248x128xf32, #tpu.memory_space<hbm>>
    tpu.wait_indirect_dma semaphore(%arg7 : memref<!tpu.dma_semaphore, #tpu.memory_space<semaphore_mem>>) src(%dma_wait3A_75 : memref<53248x128xf32, #tpu.memory_space<hbm>>) dst(%dma_wait3A_70 : memref<128x128xf32, #tpu.memory_space<vmem>>)
    %add3A_76 = arith.constant 256 : i32
    %add3A_77 = arith.addi %mul3A_2, %add3A_76 : i32
    %run_scoped3A_78 = arith.constant 0 : i32
    "tpu.region"() ({
      %run_scoped3A_92 = tpu.sem_alloc : memref<!tpu.dma_semaphore, #tpu.memory_space<semaphore_mem>>
      %dma_start3A_93 = arith.constant 0 : i32
      %dma_start3A_94 = arith.constant 0 : i32
      %dma_start3A_95 = tpu.memref_slice %arg6[%run_scoped3A_78, %dma_start3A_93, %dma_start3A_94] : memref<2x128x128xf32, #tpu.memory_space<vmem>> -> memref<1x128x128xf32, #tpu.memory_space<vmem>>
      %dma_start3A_96 = tpu.memref_squeeze %dma_start3A_95 : memref<1x128x128xf32, #tpu.memory_space<vmem>> -> memref<128x128xf32, #tpu.memory_space<vmem>>
      %dma_start3A_97 = arith.constant 0 : i32
      %dma_start3A_98 = tpu.memref_slice %arg4[%add3A_77, %dma_start3A_97] : memref<16384x128xf32, #tpu.memory_space<hbm>> -> memref<128x128xf32, #tpu.memory_space<hbm>>
      %dma_start3A_99 = arith.constant 0 : i32
      %dma_start3A_100 = tpu.memref_slice %arg4[%add3A_77, %dma_start3A_99] : memref<16384x128xf32, #tpu.memory_space<hbm>> -> memref<128x128xf32, #tpu.memory_space<hbm>>
      %dma_start3A_101 = arith.constant 0 : i32
      %dma_start3A_102 = arith.constant 0 : i32
      %dma_start3A_103 = tpu.memref_slice %arg6[%run_scoped3A_78, %dma_start3A_101, %dma_start3A_102] : memref<2x128x128xf32, #tpu.memory_space<vmem>> -> memref<1x128x128xf32, #tpu.memory_space<vmem>>
      %dma_start3A_104 = tpu.memref_squeeze %dma_start3A_103 : memref<1x128x128xf32, #tpu.memory_space<vmem>> -> memref<128x128xf32, #tpu.memory_space<vmem>>
      tpu.enqueue_dma source(%dma_start3A_104 : memref<128x128xf32, #tpu.memory_space<vmem>>) target(%dma_start3A_100 : memref<128x128xf32, #tpu.memory_space<hbm>>) target_semaphore(%run_scoped3A_92 : memref<!tpu.dma_semaphore, #tpu.memory_space<semaphore_mem>>)
      %dma_wait3A_105 = arith.constant 0 : i32
      %dma_wait3A_106 = arith.constant 0 : i32
      %dma_wait3A_107 = tpu.memref_slice %arg6[%run_scoped3A_78, %dma_wait3A_105, %dma_wait3A_106] : memref<2x128x128xf32, #tpu.memory_space<vmem>> -> memref<1x128x128xf32, #tpu.memory_space<vmem>>
      %dma_wait3A_108 = tpu.memref_squeeze %dma_wait3A_107 : memref<1x128x128xf32, #tpu.memory_space<vmem>> -> memref<128x128xf32, #tpu.memory_space<vmem>>
      %dma_wait3A_109 = arith.constant 0 : i32
      %dma_wait3A_110 = tpu.memref_slice %arg4[%add3A_77, %dma_wait3A_109] : memref<16384x128xf32, #tpu.memory_space<hbm>> -> memref<128x128xf32, #tpu.memory_space<hbm>>
      %dma_wait3A_111 = arith.constant 0 : i32
      %dma_wait3A_112 = tpu.memref_slice %arg4[%add3A_77, %dma_wait3A_111] : memref<16384x128xf32, #tpu.memory_space<hbm>> -> memref<128x128xf32, #tpu.memory_space<hbm>>
      %dma_wait3A_113 = arith.constant 0 : i32
      %dma_wait3A_114 = arith.constant 0 : i32
      %dma_wait3A_115 = tpu.memref_slice %arg6[%run_scoped3A_78, %dma_wait3A_113, %dma_wait3A_114] : memref<2x128x128xf32, #tpu.memory_space<vmem>> -> memref<1x128x128xf32, #tpu.memory_space<vmem>>
      %dma_wait3A_116 = tpu.memref_squeeze %dma_wait3A_115 : memref<1x128x128xf32, #tpu.memory_space<vmem>> -> memref<128x128xf32, #tpu.memory_space<vmem>>
      tpu.wait_dma2 semaphore(%run_scoped3A_92 : memref<!tpu.dma_semaphore, #tpu.memory_space<semaphore_mem>>) src(%dma_wait3A_116 : memref<128x128xf32, #tpu.memory_space<vmem>>) dst(%dma_wait3A_112 : memref<128x128xf32, #tpu.memory_space<hbm>>)
      tpu.yield
    }) : () -> ()
    %dma_wait3A_79 = arith.constant 1 : i32
    %dma_wait3A_80 = arith.constant 0 : i32
    %dma_wait3A_81 = arith.constant 0 : i32
    %dma_wait3A_82 = tpu.memref_slice %arg6[%dma_wait3A_79, %dma_wait3A_80, %dma_wait3A_81] : memref<2x128x128xf32, #tpu.memory_space<vmem>> -> memref<1x128x128xf32, #tpu.memory_space<vmem>>
    %dma_wait3A_83 = tpu.memref_squeeze %dma_wait3A_82 : memref<1x128x128xf32, #tpu.memory_space<vmem>> -> memref<128x128xf32, #tpu.memory_space<vmem>>
    %dma_wait3A_84 = arith.constant 384 : i32
    %dma_wait3A_85 = tpu.memref_slice %arg5[%dma_wait3A_84] : memref<512xi32, #tpu.memory_space<vmem>> -> memref<128xi32, #tpu.memory_space<vmem>>
    %dma_wait3A_86 = arith.constant 0 : i32
    %dma_wait3A_87 = arith.constant 0 : i32
    %dma_wait3A_88 = tpu.memref_slice %arg3[%dma_wait3A_86, %dma_wait3A_87] : memref<53248x128xf32, #tpu.memory_space<hbm>> -> memref<53248x128xf32, #tpu.memory_space<hbm>>
    tpu.wait_indirect_dma semaphore(%arg8 : memref<!tpu.dma_semaphore, #tpu.memory_space<semaphore_mem>>) src(%dma_wait3A_88 : memref<53248x128xf32, #tpu.memory_space<hbm>>) dst(%dma_wait3A_83 : memref<128x128xf32, #tpu.memory_space<vmem>>)
    %add3A_89 = arith.constant 384 : i32
    %add3A_90 = arith.addi %mul3A_2, %add3A_89 : i32
    %run_scoped3A_91 = arith.constant 1 : i32
    "tpu.region"() ({
      %run_scoped3A_92 = tpu.sem_alloc : memref<!tpu.dma_semaphore, #tpu.memory_space<semaphore_mem>>
      %dma_start3A_93 = arith.constant 0 : i32
      %dma_start3A_94 = arith.constant 0 : i32
      %dma_start3A_95 = tpu.memref_slice %arg6[%run_scoped3A_91, %dma_start3A_93, %dma_start3A_94] : memref<2x128x128xf32, #tpu.memory_space<vmem>> -> memref<1x128x128xf32, #tpu.memory_space<vmem>>
      %dma_start3A_96 = tpu.memref_squeeze %dma_start3A_95 : memref<1x128x128xf32, #tpu.memory_space<vmem>> -> memref<128x128xf32, #tpu.memory_space<vmem>>
      %dma_start3A_97 = arith.constant 0 : i32
      %dma_start3A_98 = tpu.memref_slice %arg4[%add3A_90, %dma_start3A_97] : memref<16384x128xf32, #tpu.memory_space<hbm>> -> memref<128x128xf32, #tpu.memory_space<hbm>>
      %dma_start3A_99 = arith.constant 0 : i32
      %dma_start3A_100 = tpu.memref_slice %arg4[%add3A_90, %dma_start3A_99] : memref<16384x128xf32, #tpu.memory_space<hbm>> -> memref<128x128xf32, #tpu.memory_space<hbm>>
      %dma_start3A_101 = arith.constant 0 : i32
      %dma_start3A_102 = arith.constant 0 : i32
      %dma_start3A_103 = tpu.memref_slice %arg6[%run_scoped3A_91, %dma_start3A_101, %dma_start3A_102] : memref<2x128x128xf32, #tpu.memory_space<vmem>> -> memref<1x128x128xf32, #tpu.memory_space<vmem>>
      %dma_start3A_104 = tpu.memref_squeeze %dma_start3A_103 : memref<1x128x128xf32, #tpu.memory_space<vmem>> -> memref<128x128xf32, #tpu.memory_space<vmem>>
      tpu.enqueue_dma source(%dma_start3A_104 : memref<128x128xf32, #tpu.memory_space<vmem>>) target(%dma_start3A_100 : memref<128x128xf32, #tpu.memory_space<hbm>>) target_semaphore(%run_scoped3A_92 : memref<!tpu.dma_semaphore, #tpu.memory_space<semaphore_mem>>)
      %dma_wait3A_105 = arith.constant 0 : i32
      %dma_wait3A_106 = arith.constant 0 : i32
      %dma_wait3A_107 = tpu.memref_slice %arg6[%run_scoped3A_91, %dma_wait3A_105, %dma_wait3A_106] : memref<2x128x128xf32, #tpu.memory_space<vmem>> -> memref<1x128x128xf32, #tpu.memory_space<vmem>>
      %dma_wait3A_108 = tpu.memref_squeeze %dma_wait3A_107 : memref<1x128x128xf32, #tpu.memory_space<vmem>> -> memref<128x128xf32, #tpu.memory_space<vmem>>
      %dma_wait3A_109 = arith.constant 0 : i32
      %dma_wait3A_110 = tpu.memref_slice %arg4[%add3A_90, %dma_wait3A_109] : memref<16384x128xf32, #tpu.memory_space<hbm>> -> memref<128x128xf32, #tpu.memory_space<hbm>>
      %dma_wait3A_111 = arith.constant 0 : i32
      %dma_wait3A_112 = tpu.memref_slice %arg4[%add3A_90, %dma_wait3A_111] : memref<16384x128xf32, #tpu.memory_space<hbm>> -> memref<128x128xf32, #tpu.memory_space<hbm>>
      %dma_wait3A_113 = arith.constant 0 : i32
      %dma_wait3A_114 = arith.constant 0 : i32
      %dma_wait3A_115 = tpu.memref_slice %arg6[%run_scoped3A_91, %dma_wait3A_113, %dma_wait3A_114] : memref<2x128x128xf32, #tpu.memory_space<vmem>> -> memref<1x128x128xf32, #tpu.memory_space<vmem>>
      %dma_wait3A_116 = tpu.memref_squeeze %dma_wait3A_115 : memref<1x128x128xf32, #tpu.memory_space<vmem>> -> memref<128x128xf32, #tpu.memory_space<vmem>>
      tpu.wait_dma2 semaphore(%run_scoped3A_92 : memref<!tpu.dma_semaphore, #tpu.memory_space<semaphore_mem>>) src(%dma_wait3A_116 : memref<128x128xf32, #tpu.memory_space<vmem>>) dst(%dma_wait3A_112 : memref<128x128xf32, #tpu.memory_space<hbm>>)
      tpu.yield
    }) : () -> ()
    return
  }
}

#map = affine_map<(d0, d1) -> (0)>
#map1 = affine_map<(d0, d1) -> (0, 0)>
module attributes {stable_mosaic.version = 14 : i64} {
  func.func @k(%arg0: i32, %arg1: i32, %arg2: memref<16384xi32, #tpu.memory_space<hbm>>, %arg3: memref<100000x512xf32, #tpu.memory_space<hbm>>, %arg4: memref<16384x512xf32, #tpu.memory_space<hbm>>, %arg5: memref<512xi32, #tpu.memory_space<vmem>>, %arg6: memref<3x64x512xf32, #tpu.memory_space<vmem>>, %arg7: memref<!tpu.dma_semaphore, #tpu.memory_space<semaphore_mem>>, %arg8: memref<!tpu.dma_semaphore, #tpu.memory_space<semaphore_mem>>, %arg9: memref<!tpu.dma_semaphore, #tpu.memory_space<semaphore_mem>>, %arg10: memref<!tpu.dma_semaphore, #tpu.memory_space<semaphore_mem>>, %arg11: memref<!tpu.dma_semaphore, #tpu.memory_space<semaphore_mem>>, %arg12: memref<!tpu.dma_semaphore, #tpu.memory_space<semaphore_mem>>) attributes {dimension_semantics = [#tpu.dimension_semantics<core_parallel>, #tpu.dimension_semantics<subcore_parallel>], iteration_bounds = array<i64: 2, 16>, scalar_prefetch = 0 : i64, scratch_operands = 8 : i64, tpu.core_type = #tpu.core_type<sc_vector_subcore>, window_params = [{transform_indices = #map}, {transform_indices = #map1}, {transform_indices = #map1}]} {
    %mul3A = arith.constant 2 : i32
    %mul3A_0 = arith.muli %arg1, %mul3A : i32
    %add3A = arith.addi %mul3A_0, %arg0 : i32
    %mul3A_1 = arith.constant 512 : i32
    %mul3A_2 = arith.muli %add3A, %mul3A_1 : i32
    %add3A_3 = arith.constant 0 : i32
    %add3A_4 = arith.addi %add3A_3, %mul3A_2 : i32
    "tpu.region"() ({
      %run_scoped3A = tpu.sem_alloc : memref<!tpu.dma_semaphore, #tpu.memory_space<semaphore_mem>>
      %dma_start3A_387 = tpu.memref_slice %arg2[%add3A_4] : memref<16384xi32, #tpu.memory_space<hbm>> -> memref<512xi32, #tpu.memory_space<hbm>>
      %dma_start3A_388 = tpu.memref_slice %arg2[%add3A_4] : memref<16384xi32, #tpu.memory_space<hbm>> -> memref<512xi32, #tpu.memory_space<hbm>>
      tpu.enqueue_dma source(%dma_start3A_388 : memref<512xi32, #tpu.memory_space<hbm>>) target(%arg5 : memref<512xi32, #tpu.memory_space<vmem>>) target_semaphore(%run_scoped3A : memref<!tpu.dma_semaphore, #tpu.memory_space<semaphore_mem>>)
      %dma_wait3A_389 = tpu.memref_slice %arg2[%add3A_4] : memref<16384xi32, #tpu.memory_space<hbm>> -> memref<512xi32, #tpu.memory_space<hbm>>
      %dma_wait3A_390 = tpu.memref_slice %arg2[%add3A_4] : memref<16384xi32, #tpu.memory_space<hbm>> -> memref<512xi32, #tpu.memory_space<hbm>>
      tpu.wait_dma2 semaphore(%run_scoped3A : memref<!tpu.dma_semaphore, #tpu.memory_space<semaphore_mem>>) src(%dma_wait3A_390 : memref<512xi32, #tpu.memory_space<hbm>>) dst(%arg5 : memref<512xi32, #tpu.memory_space<vmem>>)
      tpu.yield
    }) : () -> ()
    %dma_start3A = arith.constant 0 : i32
    %dma_start3A_5 = arith.constant 0 : i32
    %dma_start3A_6 = arith.constant 0 : i32
    %dma_start3A_7 = tpu.memref_slice %arg6[%dma_start3A, %dma_start3A_5, %dma_start3A_6] : memref<3x64x512xf32, #tpu.memory_space<vmem>> -> memref<1x64x512xf32, #tpu.memory_space<vmem>>
    %dma_start3A_8 = tpu.memref_squeeze %dma_start3A_7 : memref<1x64x512xf32, #tpu.memory_space<vmem>> -> memref<64x512xf32, #tpu.memory_space<vmem>>
    %dma_start3A_9 = arith.constant 0 : i32
    %dma_start3A_10 = tpu.memref_slice %arg5[%dma_start3A_9] : memref<512xi32, #tpu.memory_space<vmem>> -> memref<64xi32, #tpu.memory_space<vmem>>
    %dma_start3A_11 = arith.constant 0 : i32
    %dma_start3A_12 = arith.constant 0 : i32
    %dma_start3A_13 = tpu.memref_slice %arg3[%dma_start3A_11, %dma_start3A_12] : memref<100000x512xf32, #tpu.memory_space<hbm>> -> memref<100000x512xf32, #tpu.memory_space<hbm>>
    tpu.enqueue_indirect_dma source(%dma_start3A_13 : memref<100000x512xf32, #tpu.memory_space<hbm>>) target(%dma_start3A_8 : memref<64x512xf32, #tpu.memory_space<vmem>>) offsets(%dma_start3A_10 : memref<64xi32, #tpu.memory_space<vmem>>) semaphore(%arg7 : memref<!tpu.dma_semaphore, #tpu.memory_space<semaphore_mem>>)
    %dma_start3A_14 = arith.constant 1 : i32
    %dma_start3A_15 = arith.constant 0 : i32
    %dma_start3A_16 = arith.constant 0 : i32
    %dma_start3A_17 = tpu.memref_slice %arg6[%dma_start3A_14, %dma_start3A_15, %dma_start3A_16] : memref<3x64x512xf32, #tpu.memory_space<vmem>> -> memref<1x64x512xf32, #tpu.memory_space<vmem>>
    %dma_start3A_18 = tpu.memref_squeeze %dma_start3A_17 : memref<1x64x512xf32, #tpu.memory_space<vmem>> -> memref<64x512xf32, #tpu.memory_space<vmem>>
    %dma_start3A_19 = arith.constant 64 : i32
    %dma_start3A_20 = tpu.memref_slice %arg5[%dma_start3A_19] : memref<512xi32, #tpu.memory_space<vmem>> -> memref<64xi32, #tpu.memory_space<vmem>>
    %dma_start3A_21 = arith.constant 0 : i32
    %dma_start3A_22 = arith.constant 0 : i32
    %dma_start3A_23 = tpu.memref_slice %arg3[%dma_start3A_21, %dma_start3A_22] : memref<100000x512xf32, #tpu.memory_space<hbm>> -> memref<100000x512xf32, #tpu.memory_space<hbm>>
    tpu.enqueue_indirect_dma source(%dma_start3A_23 : memref<100000x512xf32, #tpu.memory_space<hbm>>) target(%dma_start3A_18 : memref<64x512xf32, #tpu.memory_space<vmem>>) offsets(%dma_start3A_20 : memref<64xi32, #tpu.memory_space<vmem>>) semaphore(%arg8 : memref<!tpu.dma_semaphore, #tpu.memory_space<semaphore_mem>>)
    %dma_start3A_24 = arith.constant 2 : i32
    %dma_start3A_25 = arith.constant 0 : i32
    %dma_start3A_26 = arith.constant 0 : i32
    %dma_start3A_27 = tpu.memref_slice %arg6[%dma_start3A_24, %dma_start3A_25, %dma_start3A_26] : memref<3x64x512xf32, #tpu.memory_space<vmem>> -> memref<1x64x512xf32, #tpu.memory_space<vmem>>
    %dma_start3A_28 = tpu.memref_squeeze %dma_start3A_27 : memref<1x64x512xf32, #tpu.memory_space<vmem>> -> memref<64x512xf32, #tpu.memory_space<vmem>>
    %dma_start3A_29 = arith.constant 128 : i32
    %dma_start3A_30 = tpu.memref_slice %arg5[%dma_start3A_29] : memref<512xi32, #tpu.memory_space<vmem>> -> memref<64xi32, #tpu.memory_space<vmem>>
    %dma_start3A_31 = arith.constant 0 : i32
    %dma_start3A_32 = arith.constant 0 : i32
    %dma_start3A_33 = tpu.memref_slice %arg3[%dma_start3A_31, %dma_start3A_32] : memref<100000x512xf32, #tpu.memory_space<hbm>> -> memref<100000x512xf32, #tpu.memory_space<hbm>>
    tpu.enqueue_indirect_dma source(%dma_start3A_33 : memref<100000x512xf32, #tpu.memory_space<hbm>>) target(%dma_start3A_28 : memref<64x512xf32, #tpu.memory_space<vmem>>) offsets(%dma_start3A_30 : memref<64xi32, #tpu.memory_space<vmem>>) semaphore(%arg9 : memref<!tpu.dma_semaphore, #tpu.memory_space<semaphore_mem>>)
    %dma_wait3A = arith.constant 0 : i32
    %dma_wait3A_34 = arith.constant 0 : i32
    %dma_wait3A_35 = arith.constant 0 : i32
    %dma_wait3A_36 = tpu.memref_slice %arg6[%dma_wait3A, %dma_wait3A_34, %dma_wait3A_35] : memref<3x64x512xf32, #tpu.memory_space<vmem>> -> memref<1x64x512xf32, #tpu.memory_space<vmem>>
    %dma_wait3A_37 = tpu.memref_squeeze %dma_wait3A_36 : memref<1x64x512xf32, #tpu.memory_space<vmem>> -> memref<64x512xf32, #tpu.memory_space<vmem>>
    %dma_wait3A_38 = arith.constant 0 : i32
    %dma_wait3A_39 = tpu.memref_slice %arg5[%dma_wait3A_38] : memref<512xi32, #tpu.memory_space<vmem>> -> memref<64xi32, #tpu.memory_space<vmem>>
    %dma_wait3A_40 = arith.constant 0 : i32
    %dma_wait3A_41 = arith.constant 0 : i32
    %dma_wait3A_42 = tpu.memref_slice %arg3[%dma_wait3A_40, %dma_wait3A_41] : memref<100000x512xf32, #tpu.memory_space<hbm>> -> memref<100000x512xf32, #tpu.memory_space<hbm>>
    tpu.wait_indirect_dma semaphore(%arg7 : memref<!tpu.dma_semaphore, #tpu.memory_space<semaphore_mem>>) src(%dma_wait3A_42 : memref<100000x512xf32, #tpu.memory_space<hbm>>) dst(%dma_wait3A_37 : memref<64x512xf32, #tpu.memory_space<vmem>>)
    %add3A_43 = arith.constant 0 : i32
    %add3A_44 = arith.addi %mul3A_2, %add3A_43 : i32
    %dma_start3A_45 = arith.constant 0 : i32
    %dma_start3A_46 = arith.constant 0 : i32
    %dma_start3A_47 = arith.constant 0 : i32
    %dma_start3A_48 = tpu.memref_slice %arg6[%dma_start3A_45, %dma_start3A_46, %dma_start3A_47] : memref<3x64x512xf32, #tpu.memory_space<vmem>> -> memref<1x64x512xf32, #tpu.memory_space<vmem>>
    %dma_start3A_49 = tpu.memref_squeeze %dma_start3A_48 : memref<1x64x512xf32, #tpu.memory_space<vmem>> -> memref<64x512xf32, #tpu.memory_space<vmem>>
    %dma_start3A_50 = arith.constant 0 : i32
    %dma_start3A_51 = tpu.memref_slice %arg4[%add3A_44, %dma_start3A_50] : memref<16384x512xf32, #tpu.memory_space<hbm>> -> memref<64x512xf32, #tpu.memory_space<hbm>>
    %dma_start3A_52 = arith.constant 0 : i32
    %dma_start3A_53 = tpu.memref_slice %arg4[%add3A_44, %dma_start3A_52] : memref<16384x512xf32, #tpu.memory_space<hbm>> -> memref<64x512xf32, #tpu.memory_space<hbm>>
    %dma_start3A_54 = arith.constant 0 : i32
    %dma_start3A_55 = arith.constant 0 : i32
    %dma_start3A_56 = tpu.memref_slice %arg6[%dma_start3A_45, %dma_start3A_54, %dma_start3A_55] : memref<3x64x512xf32, #tpu.memory_space<vmem>> -> memref<1x64x512xf32, #tpu.memory_space<vmem>>
    %dma_start3A_57 = tpu.memref_squeeze %dma_start3A_56 : memref<1x64x512xf32, #tpu.memory_space<vmem>> -> memref<64x512xf32, #tpu.memory_space<vmem>>
    tpu.enqueue_dma source(%dma_start3A_57 : memref<64x512xf32, #tpu.memory_space<vmem>>) target(%dma_start3A_53 : memref<64x512xf32, #tpu.memory_space<hbm>>) target_semaphore(%arg10 : memref<!tpu.dma_semaphore, #tpu.memory_space<semaphore_mem>>)
    %dma_wait3A_58 = arith.constant 0 : i32
    %dma_wait3A_59 = arith.constant 0 : i32
    %dma_wait3A_60 = arith.constant 0 : i32
    %dma_wait3A_61 = tpu.memref_slice %arg6[%dma_wait3A_58, %dma_wait3A_59, %dma_wait3A_60] : memref<3x64x512xf32, #tpu.memory_space<vmem>> -> memref<1x64x512xf32, #tpu.memory_space<vmem>>
    %dma_wait3A_62 = tpu.memref_squeeze %dma_wait3A_61 : memref<1x64x512xf32, #tpu.memory_space<vmem>> -> memref<64x512xf32, #tpu.memory_space<vmem>>
    %dma_wait3A_63 = arith.constant 0 : i32
    %dma_wait3A_64 = tpu.memref_slice %arg4[%add3A_44, %dma_wait3A_63] : memref<16384x512xf32, #tpu.memory_space<hbm>> -> memref<64x512xf32, #tpu.memory_space<hbm>>
    %dma_wait3A_65 = arith.constant 0 : i32
    %dma_wait3A_66 = tpu.memref_slice %arg4[%add3A_44, %dma_wait3A_65] : memref<16384x512xf32, #tpu.memory_space<hbm>> -> memref<64x512xf32, #tpu.memory_space<hbm>>
    %dma_wait3A_67 = arith.constant 0 : i32
    %dma_wait3A_68 = arith.constant 0 : i32
    %dma_wait3A_69 = tpu.memref_slice %arg6[%dma_wait3A_58, %dma_wait3A_67, %dma_wait3A_68] : memref<3x64x512xf32, #tpu.memory_space<vmem>> -> memref<1x64x512xf32, #tpu.memory_space<vmem>>
    %dma_wait3A_70 = tpu.memref_squeeze %dma_wait3A_69 : memref<1x64x512xf32, #tpu.memory_space<vmem>> -> memref<64x512xf32, #tpu.memory_space<vmem>>
    tpu.wait_dma2 semaphore(%arg10 : memref<!tpu.dma_semaphore, #tpu.memory_space<semaphore_mem>>) src(%dma_wait3A_70 : memref<64x512xf32, #tpu.memory_space<vmem>>) dst(%dma_wait3A_66 : memref<64x512xf32, #tpu.memory_space<hbm>>)
    %dma_start3A_71 = arith.constant 0 : i32
    %dma_start3A_72 = arith.constant 0 : i32
    %dma_start3A_73 = arith.constant 0 : i32
    %dma_start3A_74 = tpu.memref_slice %arg6[%dma_start3A_71, %dma_start3A_72, %dma_start3A_73] : memref<3x64x512xf32, #tpu.memory_space<vmem>> -> memref<1x64x512xf32, #tpu.memory_space<vmem>>
    %dma_start3A_75 = tpu.memref_squeeze %dma_start3A_74 : memref<1x64x512xf32, #tpu.memory_space<vmem>> -> memref<64x512xf32, #tpu.memory_space<vmem>>
    %dma_start3A_76 = arith.constant 192 : i32
    %dma_start3A_77 = tpu.memref_slice %arg5[%dma_start3A_76] : memref<512xi32, #tpu.memory_space<vmem>> -> memref<64xi32, #tpu.memory_space<vmem>>
    %dma_start3A_78 = arith.constant 0 : i32
    %dma_start3A_79 = arith.constant 0 : i32
    %dma_start3A_80 = tpu.memref_slice %arg3[%dma_start3A_78, %dma_start3A_79] : memref<100000x512xf32, #tpu.memory_space<hbm>> -> memref<100000x512xf32, #tpu.memory_space<hbm>>
    tpu.enqueue_indirect_dma source(%dma_start3A_80 : memref<100000x512xf32, #tpu.memory_space<hbm>>) target(%dma_start3A_75 : memref<64x512xf32, #tpu.memory_space<vmem>>) offsets(%dma_start3A_77 : memref<64xi32, #tpu.memory_space<vmem>>) semaphore(%arg7 : memref<!tpu.dma_semaphore, #tpu.memory_space<semaphore_mem>>)
    %dma_wait3A_81 = arith.constant 1 : i32
    %dma_wait3A_82 = arith.constant 0 : i32
    %dma_wait3A_83 = arith.constant 0 : i32
    %dma_wait3A_84 = tpu.memref_slice %arg6[%dma_wait3A_81, %dma_wait3A_82, %dma_wait3A_83] : memref<3x64x512xf32, #tpu.memory_space<vmem>> -> memref<1x64x512xf32, #tpu.memory_space<vmem>>
    %dma_wait3A_85 = tpu.memref_squeeze %dma_wait3A_84 : memref<1x64x512xf32, #tpu.memory_space<vmem>> -> memref<64x512xf32, #tpu.memory_space<vmem>>
    %dma_wait3A_86 = arith.constant 64 : i32
    %dma_wait3A_87 = tpu.memref_slice %arg5[%dma_wait3A_86] : memref<512xi32, #tpu.memory_space<vmem>> -> memref<64xi32, #tpu.memory_space<vmem>>
    %dma_wait3A_88 = arith.constant 0 : i32
    %dma_wait3A_89 = arith.constant 0 : i32
    %dma_wait3A_90 = tpu.memref_slice %arg3[%dma_wait3A_88, %dma_wait3A_89] : memref<100000x512xf32, #tpu.memory_space<hbm>> -> memref<100000x512xf32, #tpu.memory_space<hbm>>
    tpu.wait_indirect_dma semaphore(%arg8 : memref<!tpu.dma_semaphore, #tpu.memory_space<semaphore_mem>>) src(%dma_wait3A_90 : memref<100000x512xf32, #tpu.memory_space<hbm>>) dst(%dma_wait3A_85 : memref<64x512xf32, #tpu.memory_space<vmem>>)
    %add3A_91 = arith.constant 64 : i32
    %add3A_92 = arith.addi %mul3A_2, %add3A_91 : i32
    %dma_start3A_93 = arith.constant 1 : i32
    %dma_start3A_94 = arith.constant 0 : i32
    %dma_start3A_95 = arith.constant 0 : i32
    %dma_start3A_96 = tpu.memref_slice %arg6[%dma_start3A_93, %dma_start3A_94, %dma_start3A_95] : memref<3x64x512xf32, #tpu.memory_space<vmem>> -> memref<1x64x512xf32, #tpu.memory_space<vmem>>
    %dma_start3A_97 = tpu.memref_squeeze %dma_start3A_96 : memref<1x64x512xf32, #tpu.memory_space<vmem>> -> memref<64x512xf32, #tpu.memory_space<vmem>>
    %dma_start3A_98 = arith.constant 0 : i32
    %dma_start3A_99 = tpu.memref_slice %arg4[%add3A_92, %dma_start3A_98] : memref<16384x512xf32, #tpu.memory_space<hbm>> -> memref<64x512xf32, #tpu.memory_space<hbm>>
    %dma_start3A_100 = arith.constant 0 : i32
    %dma_start3A_101 = tpu.memref_slice %arg4[%add3A_92, %dma_start3A_100] : memref<16384x512xf32, #tpu.memory_space<hbm>> -> memref<64x512xf32, #tpu.memory_space<hbm>>
    %dma_start3A_102 = arith.constant 0 : i32
    %dma_start3A_103 = arith.constant 0 : i32
    %dma_start3A_104 = tpu.memref_slice %arg6[%dma_start3A_93, %dma_start3A_102, %dma_start3A_103] : memref<3x64x512xf32, #tpu.memory_space<vmem>> -> memref<1x64x512xf32, #tpu.memory_space<vmem>>
    %dma_start3A_105 = tpu.memref_squeeze %dma_start3A_104 : memref<1x64x512xf32, #tpu.memory_space<vmem>> -> memref<64x512xf32, #tpu.memory_space<vmem>>
    tpu.enqueue_dma source(%dma_start3A_105 : memref<64x512xf32, #tpu.memory_space<vmem>>) target(%dma_start3A_101 : memref<64x512xf32, #tpu.memory_space<hbm>>) target_semaphore(%arg11 : memref<!tpu.dma_semaphore, #tpu.memory_space<semaphore_mem>>)
    %dma_wait3A_106 = arith.constant 1 : i32
    %dma_wait3A_107 = arith.constant 0 : i32
    %dma_wait3A_108 = arith.constant 0 : i32
    %dma_wait3A_109 = tpu.memref_slice %arg6[%dma_wait3A_106, %dma_wait3A_107, %dma_wait3A_108] : memref<3x64x512xf32, #tpu.memory_space<vmem>> -> memref<1x64x512xf32, #tpu.memory_space<vmem>>
    %dma_wait3A_110 = tpu.memref_squeeze %dma_wait3A_109 : memref<1x64x512xf32, #tpu.memory_space<vmem>> -> memref<64x512xf32, #tpu.memory_space<vmem>>
    %dma_wait3A_111 = arith.constant 0 : i32
    %dma_wait3A_112 = tpu.memref_slice %arg4[%add3A_92, %dma_wait3A_111] : memref<16384x512xf32, #tpu.memory_space<hbm>> -> memref<64x512xf32, #tpu.memory_space<hbm>>
    %dma_wait3A_113 = arith.constant 0 : i32
    %dma_wait3A_114 = tpu.memref_slice %arg4[%add3A_92, %dma_wait3A_113] : memref<16384x512xf32, #tpu.memory_space<hbm>> -> memref<64x512xf32, #tpu.memory_space<hbm>>
    %dma_wait3A_115 = arith.constant 0 : i32
    %dma_wait3A_116 = arith.constant 0 : i32
    %dma_wait3A_117 = tpu.memref_slice %arg6[%dma_wait3A_106, %dma_wait3A_115, %dma_wait3A_116] : memref<3x64x512xf32, #tpu.memory_space<vmem>> -> memref<1x64x512xf32, #tpu.memory_space<vmem>>
    %dma_wait3A_118 = tpu.memref_squeeze %dma_wait3A_117 : memref<1x64x512xf32, #tpu.memory_space<vmem>> -> memref<64x512xf32, #tpu.memory_space<vmem>>
    tpu.wait_dma2 semaphore(%arg11 : memref<!tpu.dma_semaphore, #tpu.memory_space<semaphore_mem>>) src(%dma_wait3A_118 : memref<64x512xf32, #tpu.memory_space<vmem>>) dst(%dma_wait3A_114 : memref<64x512xf32, #tpu.memory_space<hbm>>)
    %dma_start3A_119 = arith.constant 1 : i32
    %dma_start3A_120 = arith.constant 0 : i32
    %dma_start3A_121 = arith.constant 0 : i32
    %dma_start3A_122 = tpu.memref_slice %arg6[%dma_start3A_119, %dma_start3A_120, %dma_start3A_121] : memref<3x64x512xf32, #tpu.memory_space<vmem>> -> memref<1x64x512xf32, #tpu.memory_space<vmem>>
    %dma_start3A_123 = tpu.memref_squeeze %dma_start3A_122 : memref<1x64x512xf32, #tpu.memory_space<vmem>> -> memref<64x512xf32, #tpu.memory_space<vmem>>
    %dma_start3A_124 = arith.constant 256 : i32
    %dma_start3A_125 = tpu.memref_slice %arg5[%dma_start3A_124] : memref<512xi32, #tpu.memory_space<vmem>> -> memref<64xi32, #tpu.memory_space<vmem>>
    %dma_start3A_126 = arith.constant 0 : i32
    %dma_start3A_127 = arith.constant 0 : i32
    %dma_start3A_128 = tpu.memref_slice %arg3[%dma_start3A_126, %dma_start3A_127] : memref<100000x512xf32, #tpu.memory_space<hbm>> -> memref<100000x512xf32, #tpu.memory_space<hbm>>
    tpu.enqueue_indirect_dma source(%dma_start3A_128 : memref<100000x512xf32, #tpu.memory_space<hbm>>) target(%dma_start3A_123 : memref<64x512xf32, #tpu.memory_space<vmem>>) offsets(%dma_start3A_125 : memref<64xi32, #tpu.memory_space<vmem>>) semaphore(%arg8 : memref<!tpu.dma_semaphore, #tpu.memory_space<semaphore_mem>>)
    %dma_wait3A_129 = arith.constant 2 : i32
    %dma_wait3A_130 = arith.constant 0 : i32
    %dma_wait3A_131 = arith.constant 0 : i32
    %dma_wait3A_132 = tpu.memref_slice %arg6[%dma_wait3A_129, %dma_wait3A_130, %dma_wait3A_131] : memref<3x64x512xf32, #tpu.memory_space<vmem>> -> memref<1x64x512xf32, #tpu.memory_space<vmem>>
    %dma_wait3A_133 = tpu.memref_squeeze %dma_wait3A_132 : memref<1x64x512xf32, #tpu.memory_space<vmem>> -> memref<64x512xf32, #tpu.memory_space<vmem>>
    %dma_wait3A_134 = arith.constant 128 : i32
    %dma_wait3A_135 = tpu.memref_slice %arg5[%dma_wait3A_134] : memref<512xi32, #tpu.memory_space<vmem>> -> memref<64xi32, #tpu.memory_space<vmem>>
    %dma_wait3A_136 = arith.constant 0 : i32
    %dma_wait3A_137 = arith.constant 0 : i32
    %dma_wait3A_138 = tpu.memref_slice %arg3[%dma_wait3A_136, %dma_wait3A_137] : memref<100000x512xf32, #tpu.memory_space<hbm>> -> memref<100000x512xf32, #tpu.memory_space<hbm>>
    tpu.wait_indirect_dma semaphore(%arg9 : memref<!tpu.dma_semaphore, #tpu.memory_space<semaphore_mem>>) src(%dma_wait3A_138 : memref<100000x512xf32, #tpu.memory_space<hbm>>) dst(%dma_wait3A_133 : memref<64x512xf32, #tpu.memory_space<vmem>>)
    %add3A_139 = arith.constant 128 : i32
    %add3A_140 = arith.addi %mul3A_2, %add3A_139 : i32
    %dma_start3A_141 = arith.constant 2 : i32
    %dma_start3A_142 = arith.constant 0 : i32
    %dma_start3A_143 = arith.constant 0 : i32
    %dma_start3A_144 = tpu.memref_slice %arg6[%dma_start3A_141, %dma_start3A_142, %dma_start3A_143] : memref<3x64x512xf32, #tpu.memory_space<vmem>> -> memref<1x64x512xf32, #tpu.memory_space<vmem>>
    %dma_start3A_145 = tpu.memref_squeeze %dma_start3A_144 : memref<1x64x512xf32, #tpu.memory_space<vmem>> -> memref<64x512xf32, #tpu.memory_space<vmem>>
    %dma_start3A_146 = arith.constant 0 : i32
    %dma_start3A_147 = tpu.memref_slice %arg4[%add3A_140, %dma_start3A_146] : memref<16384x512xf32, #tpu.memory_space<hbm>> -> memref<64x512xf32, #tpu.memory_space<hbm>>
    %dma_start3A_148 = arith.constant 0 : i32
    %dma_start3A_149 = tpu.memref_slice %arg4[%add3A_140, %dma_start3A_148] : memref<16384x512xf32, #tpu.memory_space<hbm>> -> memref<64x512xf32, #tpu.memory_space<hbm>>
    %dma_start3A_150 = arith.constant 0 : i32
    %dma_start3A_151 = arith.constant 0 : i32
    %dma_start3A_152 = tpu.memref_slice %arg6[%dma_start3A_141, %dma_start3A_150, %dma_start3A_151] : memref<3x64x512xf32, #tpu.memory_space<vmem>> -> memref<1x64x512xf32, #tpu.memory_space<vmem>>
    %dma_start3A_153 = tpu.memref_squeeze %dma_start3A_152 : memref<1x64x512xf32, #tpu.memory_space<vmem>> -> memref<64x512xf32, #tpu.memory_space<vmem>>
    tpu.enqueue_dma source(%dma_start3A_153 : memref<64x512xf32, #tpu.memory_space<vmem>>) target(%dma_start3A_149 : memref<64x512xf32, #tpu.memory_space<hbm>>) target_semaphore(%arg12 : memref<!tpu.dma_semaphore, #tpu.memory_space<semaphore_mem>>)
    %dma_wait3A_154 = arith.constant 2 : i32
    %dma_wait3A_155 = arith.constant 0 : i32
    %dma_wait3A_156 = arith.constant 0 : i32
    %dma_wait3A_157 = tpu.memref_slice %arg6[%dma_wait3A_154, %dma_wait3A_155, %dma_wait3A_156] : memref<3x64x512xf32, #tpu.memory_space<vmem>> -> memref<1x64x512xf32, #tpu.memory_space<vmem>>
    %dma_wait3A_158 = tpu.memref_squeeze %dma_wait3A_157 : memref<1x64x512xf32, #tpu.memory_space<vmem>> -> memref<64x512xf32, #tpu.memory_space<vmem>>
    %dma_wait3A_159 = arith.constant 0 : i32
    %dma_wait3A_160 = tpu.memref_slice %arg4[%add3A_140, %dma_wait3A_159] : memref<16384x512xf32, #tpu.memory_space<hbm>> -> memref<64x512xf32, #tpu.memory_space<hbm>>
    %dma_wait3A_161 = arith.constant 0 : i32
    %dma_wait3A_162 = tpu.memref_slice %arg4[%add3A_140, %dma_wait3A_161] : memref<16384x512xf32, #tpu.memory_space<hbm>> -> memref<64x512xf32, #tpu.memory_space<hbm>>
    %dma_wait3A_163 = arith.constant 0 : i32
    %dma_wait3A_164 = arith.constant 0 : i32
    %dma_wait3A_165 = tpu.memref_slice %arg6[%dma_wait3A_154, %dma_wait3A_163, %dma_wait3A_164] : memref<3x64x512xf32, #tpu.memory_space<vmem>> -> memref<1x64x512xf32, #tpu.memory_space<vmem>>
    %dma_wait3A_166 = tpu.memref_squeeze %dma_wait3A_165 : memref<1x64x512xf32, #tpu.memory_space<vmem>> -> memref<64x512xf32, #tpu.memory_space<vmem>>
    tpu.wait_dma2 semaphore(%arg12 : memref<!tpu.dma_semaphore, #tpu.memory_space<semaphore_mem>>) src(%dma_wait3A_166 : memref<64x512xf32, #tpu.memory_space<vmem>>) dst(%dma_wait3A_162 : memref<64x512xf32, #tpu.memory_space<hbm>>)
    %dma_start3A_167 = arith.constant 2 : i32
    %dma_start3A_168 = arith.constant 0 : i32
    %dma_start3A_169 = arith.constant 0 : i32
    %dma_start3A_170 = tpu.memref_slice %arg6[%dma_start3A_167, %dma_start3A_168, %dma_start3A_169] : memref<3x64x512xf32, #tpu.memory_space<vmem>> -> memref<1x64x512xf32, #tpu.memory_space<vmem>>
    %dma_start3A_171 = tpu.memref_squeeze %dma_start3A_170 : memref<1x64x512xf32, #tpu.memory_space<vmem>> -> memref<64x512xf32, #tpu.memory_space<vmem>>
    %dma_start3A_172 = arith.constant 320 : i32
    %dma_start3A_173 = tpu.memref_slice %arg5[%dma_start3A_172] : memref<512xi32, #tpu.memory_space<vmem>> -> memref<64xi32, #tpu.memory_space<vmem>>
    %dma_start3A_174 = arith.constant 0 : i32
    %dma_start3A_175 = arith.constant 0 : i32
    %dma_start3A_176 = tpu.memref_slice %arg3[%dma_start3A_174, %dma_start3A_175] : memref<100000x512xf32, #tpu.memory_space<hbm>> -> memref<100000x512xf32, #tpu.memory_space<hbm>>
    tpu.enqueue_indirect_dma source(%dma_start3A_176 : memref<100000x512xf32, #tpu.memory_space<hbm>>) target(%dma_start3A_171 : memref<64x512xf32, #tpu.memory_space<vmem>>) offsets(%dma_start3A_173 : memref<64xi32, #tpu.memory_space<vmem>>) semaphore(%arg9 : memref<!tpu.dma_semaphore, #tpu.memory_space<semaphore_mem>>)
    %dma_wait3A_177 = arith.constant 0 : i32
    %dma_wait3A_178 = arith.constant 0 : i32
    %dma_wait3A_179 = arith.constant 0 : i32
    %dma_wait3A_180 = tpu.memref_slice %arg6[%dma_wait3A_177, %dma_wait3A_178, %dma_wait3A_179] : memref<3x64x512xf32, #tpu.memory_space<vmem>> -> memref<1x64x512xf32, #tpu.memory_space<vmem>>
    %dma_wait3A_181 = tpu.memref_squeeze %dma_wait3A_180 : memref<1x64x512xf32, #tpu.memory_space<vmem>> -> memref<64x512xf32, #tpu.memory_space<vmem>>
    %dma_wait3A_182 = arith.constant 192 : i32
    %dma_wait3A_183 = tpu.memref_slice %arg5[%dma_wait3A_182] : memref<512xi32, #tpu.memory_space<vmem>> -> memref<64xi32, #tpu.memory_space<vmem>>
    %dma_wait3A_184 = arith.constant 0 : i32
    %dma_wait3A_185 = arith.constant 0 : i32
    %dma_wait3A_186 = tpu.memref_slice %arg3[%dma_wait3A_184, %dma_wait3A_185] : memref<100000x512xf32, #tpu.memory_space<hbm>> -> memref<100000x512xf32, #tpu.memory_space<hbm>>
    tpu.wait_indirect_dma semaphore(%arg7 : memref<!tpu.dma_semaphore, #tpu.memory_space<semaphore_mem>>) src(%dma_wait3A_186 : memref<100000x512xf32, #tpu.memory_space<hbm>>) dst(%dma_wait3A_181 : memref<64x512xf32, #tpu.memory_space<vmem>>)
    %add3A_187 = arith.constant 192 : i32
    %add3A_188 = arith.addi %mul3A_2, %add3A_187 : i32
    %dma_start3A_189 = arith.constant 0 : i32
    %dma_start3A_190 = arith.constant 0 : i32
    %dma_start3A_191 = arith.constant 0 : i32
    %dma_start3A_192 = tpu.memref_slice %arg6[%dma_start3A_189, %dma_start3A_190, %dma_start3A_191] : memref<3x64x512xf32, #tpu.memory_space<vmem>> -> memref<1x64x512xf32, #tpu.memory_space<vmem>>
    %dma_start3A_193 = tpu.memref_squeeze %dma_start3A_192 : memref<1x64x512xf32, #tpu.memory_space<vmem>> -> memref<64x512xf32, #tpu.memory_space<vmem>>
    %dma_start3A_194 = arith.constant 0 : i32
    %dma_start3A_195 = tpu.memref_slice %arg4[%add3A_188, %dma_start3A_194] : memref<16384x512xf32, #tpu.memory_space<hbm>> -> memref<64x512xf32, #tpu.memory_space<hbm>>
    %dma_start3A_196 = arith.constant 0 : i32
    %dma_start3A_197 = tpu.memref_slice %arg4[%add3A_188, %dma_start3A_196] : memref<16384x512xf32, #tpu.memory_space<hbm>> -> memref<64x512xf32, #tpu.memory_space<hbm>>
    %dma_start3A_198 = arith.constant 0 : i32
    %dma_start3A_199 = arith.constant 0 : i32
    %dma_start3A_200 = tpu.memref_slice %arg6[%dma_start3A_189, %dma_start3A_198, %dma_start3A_199] : memref<3x64x512xf32, #tpu.memory_space<vmem>> -> memref<1x64x512xf32, #tpu.memory_space<vmem>>
    %dma_start3A_201 = tpu.memref_squeeze %dma_start3A_200 : memref<1x64x512xf32, #tpu.memory_space<vmem>> -> memref<64x512xf32, #tpu.memory_space<vmem>>
    tpu.enqueue_dma source(%dma_start3A_201 : memref<64x512xf32, #tpu.memory_space<vmem>>) target(%dma_start3A_197 : memref<64x512xf32, #tpu.memory_space<hbm>>) target_semaphore(%arg10 : memref<!tpu.dma_semaphore, #tpu.memory_space<semaphore_mem>>)
    %dma_wait3A_202 = arith.constant 0 : i32
    %dma_wait3A_203 = arith.constant 0 : i32
    %dma_wait3A_204 = arith.constant 0 : i32
    %dma_wait3A_205 = tpu.memref_slice %arg6[%dma_wait3A_202, %dma_wait3A_203, %dma_wait3A_204] : memref<3x64x512xf32, #tpu.memory_space<vmem>> -> memref<1x64x512xf32, #tpu.memory_space<vmem>>
    %dma_wait3A_206 = tpu.memref_squeeze %dma_wait3A_205 : memref<1x64x512xf32, #tpu.memory_space<vmem>> -> memref<64x512xf32, #tpu.memory_space<vmem>>
    %dma_wait3A_207 = arith.constant 0 : i32
    %dma_wait3A_208 = tpu.memref_slice %arg4[%add3A_188, %dma_wait3A_207] : memref<16384x512xf32, #tpu.memory_space<hbm>> -> memref<64x512xf32, #tpu.memory_space<hbm>>
    %dma_wait3A_209 = arith.constant 0 : i32
    %dma_wait3A_210 = tpu.memref_slice %arg4[%add3A_188, %dma_wait3A_209] : memref<16384x512xf32, #tpu.memory_space<hbm>> -> memref<64x512xf32, #tpu.memory_space<hbm>>
    %dma_wait3A_211 = arith.constant 0 : i32
    %dma_wait3A_212 = arith.constant 0 : i32
    %dma_wait3A_213 = tpu.memref_slice %arg6[%dma_wait3A_202, %dma_wait3A_211, %dma_wait3A_212] : memref<3x64x512xf32, #tpu.memory_space<vmem>> -> memref<1x64x512xf32, #tpu.memory_space<vmem>>
    %dma_wait3A_214 = tpu.memref_squeeze %dma_wait3A_213 : memref<1x64x512xf32, #tpu.memory_space<vmem>> -> memref<64x512xf32, #tpu.memory_space<vmem>>
    tpu.wait_dma2 semaphore(%arg10 : memref<!tpu.dma_semaphore, #tpu.memory_space<semaphore_mem>>) src(%dma_wait3A_214 : memref<64x512xf32, #tpu.memory_space<vmem>>) dst(%dma_wait3A_210 : memref<64x512xf32, #tpu.memory_space<hbm>>)
    %dma_start3A_215 = arith.constant 0 : i32
    %dma_start3A_216 = arith.constant 0 : i32
    %dma_start3A_217 = arith.constant 0 : i32
    %dma_start3A_218 = tpu.memref_slice %arg6[%dma_start3A_215, %dma_start3A_216, %dma_start3A_217] : memref<3x64x512xf32, #tpu.memory_space<vmem>> -> memref<1x64x512xf32, #tpu.memory_space<vmem>>
    %dma_start3A_219 = tpu.memref_squeeze %dma_start3A_218 : memref<1x64x512xf32, #tpu.memory_space<vmem>> -> memref<64x512xf32, #tpu.memory_space<vmem>>
    %dma_start3A_220 = arith.constant 384 : i32
    %dma_start3A_221 = tpu.memref_slice %arg5[%dma_start3A_220] : memref<512xi32, #tpu.memory_space<vmem>> -> memref<64xi32, #tpu.memory_space<vmem>>
    %dma_start3A_222 = arith.constant 0 : i32
    %dma_start3A_223 = arith.constant 0 : i32
    %dma_start3A_224 = tpu.memref_slice %arg3[%dma_start3A_222, %dma_start3A_223] : memref<100000x512xf32, #tpu.memory_space<hbm>> -> memref<100000x512xf32, #tpu.memory_space<hbm>>
    tpu.enqueue_indirect_dma source(%dma_start3A_224 : memref<100000x512xf32, #tpu.memory_space<hbm>>) target(%dma_start3A_219 : memref<64x512xf32, #tpu.memory_space<vmem>>) offsets(%dma_start3A_221 : memref<64xi32, #tpu.memory_space<vmem>>) semaphore(%arg7 : memref<!tpu.dma_semaphore, #tpu.memory_space<semaphore_mem>>)
    %dma_wait3A_225 = arith.constant 1 : i32
    %dma_wait3A_226 = arith.constant 0 : i32
    %dma_wait3A_227 = arith.constant 0 : i32
    %dma_wait3A_228 = tpu.memref_slice %arg6[%dma_wait3A_225, %dma_wait3A_226, %dma_wait3A_227] : memref<3x64x512xf32, #tpu.memory_space<vmem>> -> memref<1x64x512xf32, #tpu.memory_space<vmem>>
    %dma_wait3A_229 = tpu.memref_squeeze %dma_wait3A_228 : memref<1x64x512xf32, #tpu.memory_space<vmem>> -> memref<64x512xf32, #tpu.memory_space<vmem>>
    %dma_wait3A_230 = arith.constant 256 : i32
    %dma_wait3A_231 = tpu.memref_slice %arg5[%dma_wait3A_230] : memref<512xi32, #tpu.memory_space<vmem>> -> memref<64xi32, #tpu.memory_space<vmem>>
    %dma_wait3A_232 = arith.constant 0 : i32
    %dma_wait3A_233 = arith.constant 0 : i32
    %dma_wait3A_234 = tpu.memref_slice %arg3[%dma_wait3A_232, %dma_wait3A_233] : memref<100000x512xf32, #tpu.memory_space<hbm>> -> memref<100000x512xf32, #tpu.memory_space<hbm>>
    tpu.wait_indirect_dma semaphore(%arg8 : memref<!tpu.dma_semaphore, #tpu.memory_space<semaphore_mem>>) src(%dma_wait3A_234 : memref<100000x512xf32, #tpu.memory_space<hbm>>) dst(%dma_wait3A_229 : memref<64x512xf32, #tpu.memory_space<vmem>>)
    %add3A_235 = arith.constant 256 : i32
    %add3A_236 = arith.addi %mul3A_2, %add3A_235 : i32
    %dma_start3A_237 = arith.constant 1 : i32
    %dma_start3A_238 = arith.constant 0 : i32
    %dma_start3A_239 = arith.constant 0 : i32
    %dma_start3A_240 = tpu.memref_slice %arg6[%dma_start3A_237, %dma_start3A_238, %dma_start3A_239] : memref<3x64x512xf32, #tpu.memory_space<vmem>> -> memref<1x64x512xf32, #tpu.memory_space<vmem>>
    %dma_start3A_241 = tpu.memref_squeeze %dma_start3A_240 : memref<1x64x512xf32, #tpu.memory_space<vmem>> -> memref<64x512xf32, #tpu.memory_space<vmem>>
    %dma_start3A_242 = arith.constant 0 : i32
    %dma_start3A_243 = tpu.memref_slice %arg4[%add3A_236, %dma_start3A_242] : memref<16384x512xf32, #tpu.memory_space<hbm>> -> memref<64x512xf32, #tpu.memory_space<hbm>>
    %dma_start3A_244 = arith.constant 0 : i32
    %dma_start3A_245 = tpu.memref_slice %arg4[%add3A_236, %dma_start3A_244] : memref<16384x512xf32, #tpu.memory_space<hbm>> -> memref<64x512xf32, #tpu.memory_space<hbm>>
    %dma_start3A_246 = arith.constant 0 : i32
    %dma_start3A_247 = arith.constant 0 : i32
    %dma_start3A_248 = tpu.memref_slice %arg6[%dma_start3A_237, %dma_start3A_246, %dma_start3A_247] : memref<3x64x512xf32, #tpu.memory_space<vmem>> -> memref<1x64x512xf32, #tpu.memory_space<vmem>>
    %dma_start3A_249 = tpu.memref_squeeze %dma_start3A_248 : memref<1x64x512xf32, #tpu.memory_space<vmem>> -> memref<64x512xf32, #tpu.memory_space<vmem>>
    tpu.enqueue_dma source(%dma_start3A_249 : memref<64x512xf32, #tpu.memory_space<vmem>>) target(%dma_start3A_245 : memref<64x512xf32, #tpu.memory_space<hbm>>) target_semaphore(%arg11 : memref<!tpu.dma_semaphore, #tpu.memory_space<semaphore_mem>>)
    %dma_wait3A_250 = arith.constant 1 : i32
    %dma_wait3A_251 = arith.constant 0 : i32
    %dma_wait3A_252 = arith.constant 0 : i32
    %dma_wait3A_253 = tpu.memref_slice %arg6[%dma_wait3A_250, %dma_wait3A_251, %dma_wait3A_252] : memref<3x64x512xf32, #tpu.memory_space<vmem>> -> memref<1x64x512xf32, #tpu.memory_space<vmem>>
    %dma_wait3A_254 = tpu.memref_squeeze %dma_wait3A_253 : memref<1x64x512xf32, #tpu.memory_space<vmem>> -> memref<64x512xf32, #tpu.memory_space<vmem>>
    %dma_wait3A_255 = arith.constant 0 : i32
    %dma_wait3A_256 = tpu.memref_slice %arg4[%add3A_236, %dma_wait3A_255] : memref<16384x512xf32, #tpu.memory_space<hbm>> -> memref<64x512xf32, #tpu.memory_space<hbm>>
    %dma_wait3A_257 = arith.constant 0 : i32
    %dma_wait3A_258 = tpu.memref_slice %arg4[%add3A_236, %dma_wait3A_257] : memref<16384x512xf32, #tpu.memory_space<hbm>> -> memref<64x512xf32, #tpu.memory_space<hbm>>
    %dma_wait3A_259 = arith.constant 0 : i32
    %dma_wait3A_260 = arith.constant 0 : i32
    %dma_wait3A_261 = tpu.memref_slice %arg6[%dma_wait3A_250, %dma_wait3A_259, %dma_wait3A_260] : memref<3x64x512xf32, #tpu.memory_space<vmem>> -> memref<1x64x512xf32, #tpu.memory_space<vmem>>
    %dma_wait3A_262 = tpu.memref_squeeze %dma_wait3A_261 : memref<1x64x512xf32, #tpu.memory_space<vmem>> -> memref<64x512xf32, #tpu.memory_space<vmem>>
    tpu.wait_dma2 semaphore(%arg11 : memref<!tpu.dma_semaphore, #tpu.memory_space<semaphore_mem>>) src(%dma_wait3A_262 : memref<64x512xf32, #tpu.memory_space<vmem>>) dst(%dma_wait3A_258 : memref<64x512xf32, #tpu.memory_space<hbm>>)
    %dma_start3A_263 = arith.constant 1 : i32
    %dma_start3A_264 = arith.constant 0 : i32
    %dma_start3A_265 = arith.constant 0 : i32
    %dma_start3A_266 = tpu.memref_slice %arg6[%dma_start3A_263, %dma_start3A_264, %dma_start3A_265] : memref<3x64x512xf32, #tpu.memory_space<vmem>> -> memref<1x64x512xf32, #tpu.memory_space<vmem>>
    %dma_start3A_267 = tpu.memref_squeeze %dma_start3A_266 : memref<1x64x512xf32, #tpu.memory_space<vmem>> -> memref<64x512xf32, #tpu.memory_space<vmem>>
    %dma_start3A_268 = arith.constant 448 : i32
    %dma_start3A_269 = tpu.memref_slice %arg5[%dma_start3A_268] : memref<512xi32, #tpu.memory_space<vmem>> -> memref<64xi32, #tpu.memory_space<vmem>>
    %dma_start3A_270 = arith.constant 0 : i32
    %dma_start3A_271 = arith.constant 0 : i32
    %dma_start3A_272 = tpu.memref_slice %arg3[%dma_start3A_270, %dma_start3A_271] : memref<100000x512xf32, #tpu.memory_space<hbm>> -> memref<100000x512xf32, #tpu.memory_space<hbm>>
    tpu.enqueue_indirect_dma source(%dma_start3A_272 : memref<100000x512xf32, #tpu.memory_space<hbm>>) target(%dma_start3A_267 : memref<64x512xf32, #tpu.memory_space<vmem>>) offsets(%dma_start3A_269 : memref<64xi32, #tpu.memory_space<vmem>>) semaphore(%arg8 : memref<!tpu.dma_semaphore, #tpu.memory_space<semaphore_mem>>)
    %dma_wait3A_273 = arith.constant 2 : i32
    %dma_wait3A_274 = arith.constant 0 : i32
    %dma_wait3A_275 = arith.constant 0 : i32
    %dma_wait3A_276 = tpu.memref_slice %arg6[%dma_wait3A_273, %dma_wait3A_274, %dma_wait3A_275] : memref<3x64x512xf32, #tpu.memory_space<vmem>> -> memref<1x64x512xf32, #tpu.memory_space<vmem>>
    %dma_wait3A_277 = tpu.memref_squeeze %dma_wait3A_276 : memref<1x64x512xf32, #tpu.memory_space<vmem>> -> memref<64x512xf32, #tpu.memory_space<vmem>>
    %dma_wait3A_278 = arith.constant 320 : i32
    %dma_wait3A_279 = tpu.memref_slice %arg5[%dma_wait3A_278] : memref<512xi32, #tpu.memory_space<vmem>> -> memref<64xi32, #tpu.memory_space<vmem>>
    %dma_wait3A_280 = arith.constant 0 : i32
    %dma_wait3A_281 = arith.constant 0 : i32
    %dma_wait3A_282 = tpu.memref_slice %arg3[%dma_wait3A_280, %dma_wait3A_281] : memref<100000x512xf32, #tpu.memory_space<hbm>> -> memref<100000x512xf32, #tpu.memory_space<hbm>>
    tpu.wait_indirect_dma semaphore(%arg9 : memref<!tpu.dma_semaphore, #tpu.memory_space<semaphore_mem>>) src(%dma_wait3A_282 : memref<100000x512xf32, #tpu.memory_space<hbm>>) dst(%dma_wait3A_277 : memref<64x512xf32, #tpu.memory_space<vmem>>)
    %add3A_283 = arith.constant 320 : i32
    %add3A_284 = arith.addi %mul3A_2, %add3A_283 : i32
    %dma_start3A_285 = arith.constant 2 : i32
    %dma_start3A_286 = arith.constant 0 : i32
    %dma_start3A_287 = arith.constant 0 : i32
    %dma_start3A_288 = tpu.memref_slice %arg6[%dma_start3A_285, %dma_start3A_286, %dma_start3A_287] : memref<3x64x512xf32, #tpu.memory_space<vmem>> -> memref<1x64x512xf32, #tpu.memory_space<vmem>>
    %dma_start3A_289 = tpu.memref_squeeze %dma_start3A_288 : memref<1x64x512xf32, #tpu.memory_space<vmem>> -> memref<64x512xf32, #tpu.memory_space<vmem>>
    %dma_start3A_290 = arith.constant 0 : i32
    %dma_start3A_291 = tpu.memref_slice %arg4[%add3A_284, %dma_start3A_290] : memref<16384x512xf32, #tpu.memory_space<hbm>> -> memref<64x512xf32, #tpu.memory_space<hbm>>
    %dma_start3A_292 = arith.constant 0 : i32
    %dma_start3A_293 = tpu.memref_slice %arg4[%add3A_284, %dma_start3A_292] : memref<16384x512xf32, #tpu.memory_space<hbm>> -> memref<64x512xf32, #tpu.memory_space<hbm>>
    %dma_start3A_294 = arith.constant 0 : i32
    %dma_start3A_295 = arith.constant 0 : i32
    %dma_start3A_296 = tpu.memref_slice %arg6[%dma_start3A_285, %dma_start3A_294, %dma_start3A_295] : memref<3x64x512xf32, #tpu.memory_space<vmem>> -> memref<1x64x512xf32, #tpu.memory_space<vmem>>
    %dma_start3A_297 = tpu.memref_squeeze %dma_start3A_296 : memref<1x64x512xf32, #tpu.memory_space<vmem>> -> memref<64x512xf32, #tpu.memory_space<vmem>>
    tpu.enqueue_dma source(%dma_start3A_297 : memref<64x512xf32, #tpu.memory_space<vmem>>) target(%dma_start3A_293 : memref<64x512xf32, #tpu.memory_space<hbm>>) target_semaphore(%arg12 : memref<!tpu.dma_semaphore, #tpu.memory_space<semaphore_mem>>)
    %dma_wait3A_298 = arith.constant 0 : i32
    %dma_wait3A_299 = arith.constant 0 : i32
    %dma_wait3A_300 = arith.constant 0 : i32
    %dma_wait3A_301 = tpu.memref_slice %arg6[%dma_wait3A_298, %dma_wait3A_299, %dma_wait3A_300] : memref<3x64x512xf32, #tpu.memory_space<vmem>> -> memref<1x64x512xf32, #tpu.memory_space<vmem>>
    %dma_wait3A_302 = tpu.memref_squeeze %dma_wait3A_301 : memref<1x64x512xf32, #tpu.memory_space<vmem>> -> memref<64x512xf32, #tpu.memory_space<vmem>>
    %dma_wait3A_303 = arith.constant 384 : i32
    %dma_wait3A_304 = tpu.memref_slice %arg5[%dma_wait3A_303] : memref<512xi32, #tpu.memory_space<vmem>> -> memref<64xi32, #tpu.memory_space<vmem>>
    %dma_wait3A_305 = arith.constant 0 : i32
    %dma_wait3A_306 = arith.constant 0 : i32
    %dma_wait3A_307 = tpu.memref_slice %arg3[%dma_wait3A_305, %dma_wait3A_306] : memref<100000x512xf32, #tpu.memory_space<hbm>> -> memref<100000x512xf32, #tpu.memory_space<hbm>>
    tpu.wait_indirect_dma semaphore(%arg7 : memref<!tpu.dma_semaphore, #tpu.memory_space<semaphore_mem>>) src(%dma_wait3A_307 : memref<100000x512xf32, #tpu.memory_space<hbm>>) dst(%dma_wait3A_302 : memref<64x512xf32, #tpu.memory_space<vmem>>)
    %add3A_308 = arith.constant 384 : i32
    %add3A_309 = arith.addi %mul3A_2, %add3A_308 : i32
    %dma_start3A_310 = arith.constant 0 : i32
    %dma_start3A_311 = arith.constant 0 : i32
    %dma_start3A_312 = arith.constant 0 : i32
    %dma_start3A_313 = tpu.memref_slice %arg6[%dma_start3A_310, %dma_start3A_311, %dma_start3A_312] : memref<3x64x512xf32, #tpu.memory_space<vmem>> -> memref<1x64x512xf32, #tpu.memory_space<vmem>>
    %dma_start3A_314 = tpu.memref_squeeze %dma_start3A_313 : memref<1x64x512xf32, #tpu.memory_space<vmem>> -> memref<64x512xf32, #tpu.memory_space<vmem>>
    %dma_start3A_315 = arith.constant 0 : i32
    %dma_start3A_316 = tpu.memref_slice %arg4[%add3A_309, %dma_start3A_315] : memref<16384x512xf32, #tpu.memory_space<hbm>> -> memref<64x512xf32, #tpu.memory_space<hbm>>
    %dma_start3A_317 = arith.constant 0 : i32
    %dma_start3A_318 = tpu.memref_slice %arg4[%add3A_309, %dma_start3A_317] : memref<16384x512xf32, #tpu.memory_space<hbm>> -> memref<64x512xf32, #tpu.memory_space<hbm>>
    %dma_start3A_319 = arith.constant 0 : i32
    %dma_start3A_320 = arith.constant 0 : i32
    %dma_start3A_321 = tpu.memref_slice %arg6[%dma_start3A_310, %dma_start3A_319, %dma_start3A_320] : memref<3x64x512xf32, #tpu.memory_space<vmem>> -> memref<1x64x512xf32, #tpu.memory_space<vmem>>
    %dma_start3A_322 = tpu.memref_squeeze %dma_start3A_321 : memref<1x64x512xf32, #tpu.memory_space<vmem>> -> memref<64x512xf32, #tpu.memory_space<vmem>>
    tpu.enqueue_dma source(%dma_start3A_322 : memref<64x512xf32, #tpu.memory_space<vmem>>) target(%dma_start3A_318 : memref<64x512xf32, #tpu.memory_space<hbm>>) target_semaphore(%arg10 : memref<!tpu.dma_semaphore, #tpu.memory_space<semaphore_mem>>)
    %dma_wait3A_323 = arith.constant 1 : i32
    %dma_wait3A_324 = arith.constant 0 : i32
    %dma_wait3A_325 = arith.constant 0 : i32
    %dma_wait3A_326 = tpu.memref_slice %arg6[%dma_wait3A_323, %dma_wait3A_324, %dma_wait3A_325] : memref<3x64x512xf32, #tpu.memory_space<vmem>> -> memref<1x64x512xf32, #tpu.memory_space<vmem>>
    %dma_wait3A_327 = tpu.memref_squeeze %dma_wait3A_326 : memref<1x64x512xf32, #tpu.memory_space<vmem>> -> memref<64x512xf32, #tpu.memory_space<vmem>>
    %dma_wait3A_328 = arith.constant 448 : i32
    %dma_wait3A_329 = tpu.memref_slice %arg5[%dma_wait3A_328] : memref<512xi32, #tpu.memory_space<vmem>> -> memref<64xi32, #tpu.memory_space<vmem>>
    %dma_wait3A_330 = arith.constant 0 : i32
    %dma_wait3A_331 = arith.constant 0 : i32
    %dma_wait3A_332 = tpu.memref_slice %arg3[%dma_wait3A_330, %dma_wait3A_331] : memref<100000x512xf32, #tpu.memory_space<hbm>> -> memref<100000x512xf32, #tpu.memory_space<hbm>>
    tpu.wait_indirect_dma semaphore(%arg8 : memref<!tpu.dma_semaphore, #tpu.memory_space<semaphore_mem>>) src(%dma_wait3A_332 : memref<100000x512xf32, #tpu.memory_space<hbm>>) dst(%dma_wait3A_327 : memref<64x512xf32, #tpu.memory_space<vmem>>)
    %add3A_333 = arith.constant 448 : i32
    %add3A_334 = arith.addi %mul3A_2, %add3A_333 : i32
    %dma_start3A_335 = arith.constant 1 : i32
    %dma_start3A_336 = arith.constant 0 : i32
    %dma_start3A_337 = arith.constant 0 : i32
    %dma_start3A_338 = tpu.memref_slice %arg6[%dma_start3A_335, %dma_start3A_336, %dma_start3A_337] : memref<3x64x512xf32, #tpu.memory_space<vmem>> -> memref<1x64x512xf32, #tpu.memory_space<vmem>>
    %dma_start3A_339 = tpu.memref_squeeze %dma_start3A_338 : memref<1x64x512xf32, #tpu.memory_space<vmem>> -> memref<64x512xf32, #tpu.memory_space<vmem>>
    %dma_start3A_340 = arith.constant 0 : i32
    %dma_start3A_341 = tpu.memref_slice %arg4[%add3A_334, %dma_start3A_340] : memref<16384x512xf32, #tpu.memory_space<hbm>> -> memref<64x512xf32, #tpu.memory_space<hbm>>
    %dma_start3A_342 = arith.constant 0 : i32
    %dma_start3A_343 = tpu.memref_slice %arg4[%add3A_334, %dma_start3A_342] : memref<16384x512xf32, #tpu.memory_space<hbm>> -> memref<64x512xf32, #tpu.memory_space<hbm>>
    %dma_start3A_344 = arith.constant 0 : i32
    %dma_start3A_345 = arith.constant 0 : i32
    %dma_start3A_346 = tpu.memref_slice %arg6[%dma_start3A_335, %dma_start3A_344, %dma_start3A_345] : memref<3x64x512xf32, #tpu.memory_space<vmem>> -> memref<1x64x512xf32, #tpu.memory_space<vmem>>
    %dma_start3A_347 = tpu.memref_squeeze %dma_start3A_346 : memref<1x64x512xf32, #tpu.memory_space<vmem>> -> memref<64x512xf32, #tpu.memory_space<vmem>>
    tpu.enqueue_dma source(%dma_start3A_347 : memref<64x512xf32, #tpu.memory_space<vmem>>) target(%dma_start3A_343 : memref<64x512xf32, #tpu.memory_space<hbm>>) target_semaphore(%arg11 : memref<!tpu.dma_semaphore, #tpu.memory_space<semaphore_mem>>)
    %dma_wait3A_348 = arith.constant 2 : i32
    %dma_wait3A_349 = arith.constant 0 : i32
    %dma_wait3A_350 = arith.constant 0 : i32
    %dma_wait3A_351 = tpu.memref_slice %arg6[%dma_wait3A_348, %dma_wait3A_349, %dma_wait3A_350] : memref<3x64x512xf32, #tpu.memory_space<vmem>> -> memref<1x64x512xf32, #tpu.memory_space<vmem>>
    %dma_wait3A_352 = tpu.memref_squeeze %dma_wait3A_351 : memref<1x64x512xf32, #tpu.memory_space<vmem>> -> memref<64x512xf32, #tpu.memory_space<vmem>>
    %dma_wait3A_353 = arith.constant 0 : i32
    %dma_wait3A_354 = tpu.memref_slice %arg4[%add3A_284, %dma_wait3A_353] : memref<16384x512xf32, #tpu.memory_space<hbm>> -> memref<64x512xf32, #tpu.memory_space<hbm>>
    %dma_wait3A_355 = arith.constant 0 : i32
    %dma_wait3A_356 = tpu.memref_slice %arg4[%add3A_284, %dma_wait3A_355] : memref<16384x512xf32, #tpu.memory_space<hbm>> -> memref<64x512xf32, #tpu.memory_space<hbm>>
    %dma_wait3A_357 = arith.constant 0 : i32
    %dma_wait3A_358 = arith.constant 0 : i32
    %dma_wait3A_359 = tpu.memref_slice %arg6[%dma_wait3A_348, %dma_wait3A_357, %dma_wait3A_358] : memref<3x64x512xf32, #tpu.memory_space<vmem>> -> memref<1x64x512xf32, #tpu.memory_space<vmem>>
    %dma_wait3A_360 = tpu.memref_squeeze %dma_wait3A_359 : memref<1x64x512xf32, #tpu.memory_space<vmem>> -> memref<64x512xf32, #tpu.memory_space<vmem>>
    tpu.wait_dma2 semaphore(%arg12 : memref<!tpu.dma_semaphore, #tpu.memory_space<semaphore_mem>>) src(%dma_wait3A_360 : memref<64x512xf32, #tpu.memory_space<vmem>>) dst(%dma_wait3A_356 : memref<64x512xf32, #tpu.memory_space<hbm>>)
    %dma_wait3A_361 = arith.constant 0 : i32
    %dma_wait3A_362 = arith.constant 0 : i32
    %dma_wait3A_363 = arith.constant 0 : i32
    %dma_wait3A_364 = tpu.memref_slice %arg6[%dma_wait3A_361, %dma_wait3A_362, %dma_wait3A_363] : memref<3x64x512xf32, #tpu.memory_space<vmem>> -> memref<1x64x512xf32, #tpu.memory_space<vmem>>
    %dma_wait3A_365 = tpu.memref_squeeze %dma_wait3A_364 : memref<1x64x512xf32, #tpu.memory_space<vmem>> -> memref<64x512xf32, #tpu.memory_space<vmem>>
    %dma_wait3A_366 = arith.constant 0 : i32
    %dma_wait3A_367 = tpu.memref_slice %arg4[%add3A_309, %dma_wait3A_366] : memref<16384x512xf32, #tpu.memory_space<hbm>> -> memref<64x512xf32, #tpu.memory_space<hbm>>
    %dma_wait3A_368 = arith.constant 0 : i32
    %dma_wait3A_369 = tpu.memref_slice %arg4[%add3A_309, %dma_wait3A_368] : memref<16384x512xf32, #tpu.memory_space<hbm>> -> memref<64x512xf32, #tpu.memory_space<hbm>>
    %dma_wait3A_370 = arith.constant 0 : i32
    %dma_wait3A_371 = arith.constant 0 : i32
    %dma_wait3A_372 = tpu.memref_slice %arg6[%dma_wait3A_361, %dma_wait3A_370, %dma_wait3A_371] : memref<3x64x512xf32, #tpu.memory_space<vmem>> -> memref<1x64x512xf32, #tpu.memory_space<vmem>>
    %dma_wait3A_373 = tpu.memref_squeeze %dma_wait3A_372 : memref<1x64x512xf32, #tpu.memory_space<vmem>> -> memref<64x512xf32, #tpu.memory_space<vmem>>
    tpu.wait_dma2 semaphore(%arg10 : memref<!tpu.dma_semaphore, #tpu.memory_space<semaphore_mem>>) src(%dma_wait3A_373 : memref<64x512xf32, #tpu.memory_space<vmem>>) dst(%dma_wait3A_369 : memref<64x512xf32, #tpu.memory_space<hbm>>)
    %dma_wait3A_374 = arith.constant 1 : i32
    %dma_wait3A_375 = arith.constant 0 : i32
    %dma_wait3A_376 = arith.constant 0 : i32
    %dma_wait3A_377 = tpu.memref_slice %arg6[%dma_wait3A_374, %dma_wait3A_375, %dma_wait3A_376] : memref<3x64x512xf32, #tpu.memory_space<vmem>> -> memref<1x64x512xf32, #tpu.memory_space<vmem>>
    %dma_wait3A_378 = tpu.memref_squeeze %dma_wait3A_377 : memref<1x64x512xf32, #tpu.memory_space<vmem>> -> memref<64x512xf32, #tpu.memory_space<vmem>>
    %dma_wait3A_379 = arith.constant 0 : i32
    %dma_wait3A_380 = tpu.memref_slice %arg4[%add3A_334, %dma_wait3A_379] : memref<16384x512xf32, #tpu.memory_space<hbm>> -> memref<64x512xf32, #tpu.memory_space<hbm>>
    %dma_wait3A_381 = arith.constant 0 : i32
    %dma_wait3A_382 = tpu.memref_slice %arg4[%add3A_334, %dma_wait3A_381] : memref<16384x512xf32, #tpu.memory_space<hbm>> -> memref<64x512xf32, #tpu.memory_space<hbm>>
    %dma_wait3A_383 = arith.constant 0 : i32
    %dma_wait3A_384 = arith.constant 0 : i32
    %dma_wait3A_385 = tpu.memref_slice %arg6[%dma_wait3A_374, %dma_wait3A_383, %dma_wait3A_384] : memref<3x64x512xf32, #tpu.memory_space<vmem>> -> memref<1x64x512xf32, #tpu.memory_space<vmem>>
    %dma_wait3A_386 = tpu.memref_squeeze %dma_wait3A_385 : memref<1x64x512xf32, #tpu.memory_space<vmem>> -> memref<64x512xf32, #tpu.memory_space<vmem>>
    tpu.wait_dma2 semaphore(%arg11 : memref<!tpu.dma_semaphore, #tpu.memory_space<semaphore_mem>>) src(%dma_wait3A_386 : memref<64x512xf32, #tpu.memory_space<vmem>>) dst(%dma_wait3A_382 : memref<64x512xf32, #tpu.memory_space<hbm>>)
    return
  }
}

module attributes {stable_mosaic.version = 14 : i64} {
  func.func @body(%arg0: i32, %arg1: memref<64x2048xf32, #tpu.memory_space<vmem>>, %arg2: memref<64x2048xf32, #tpu.memory_space<vmem>>, %arg3: memref<64x2048xf32, #tpu.memory_space<vmem>>, %arg4: memref<64x2048xf32, #tpu.memory_space<vmem>>) attributes {dimension_semantics = [#tpu.dimension_semantics<arbitrary>], iteration_bounds = array<i64: 8>, scalar_prefetch = 0 : i64, scratch_operands = 0 : i64, tpu.core_type = #tpu.core_type<tc>, window_params = [{transform_indices = @transform_0, window_bounds = array<i64: 64, 2048>}, {transform_indices = @transform_1, window_bounds = array<i64: 64, 2048>}, {transform_indices = @transform_2, window_bounds = array<i64: 64, 2048>}, {transform_indices = @transform_3, window_bounds = array<i64: 64, 2048>}]} {
    %get3A = arith.constant 0 : index
    %get3A_0 = arith.constant 0 : index
    %get3A_1 = vector.load %arg1[%get3A, %get3A_0] : memref<64x2048xf32, #tpu.memory_space<vmem>>, vector<64x2048xf32>
    %swap3A = arith.constant 0 : index
    %swap3A_2 = arith.constant 0 : index
    %swap3A_3 = vector.load %arg3[%swap3A, %swap3A_2] : memref<64x2048xf32, #tpu.memory_space<vmem>>, vector<64x2048xf32>
    tpu.vector_store %arg3[%swap3A, %swap3A_2], %get3A_1 {strides = array<i32>} : memref<64x2048xf32, #tpu.memory_space<vmem>>, vector<64x2048xf32>,
    %get3A_4 = arith.constant 0 : index
    %get3A_5 = arith.constant 0 : index
    %get3A_6 = vector.load %arg2[%get3A_4, %get3A_5] : memref<64x2048xf32, #tpu.memory_space<vmem>>, vector<64x2048xf32>
    %swap3A_7 = arith.constant 0 : index
    %swap3A_8 = arith.constant 0 : index
    %swap3A_9 = vector.load %arg4[%swap3A_7, %swap3A_8] : memref<64x2048xf32, #tpu.memory_space<vmem>>, vector<64x2048xf32>
    tpu.vector_store %arg4[%swap3A_7, %swap3A_8], %get3A_6 {strides = array<i32>} : memref<64x2048xf32, #tpu.memory_space<vmem>>, vector<64x2048xf32>,
    return
  }
  func.func @transform_0(%arg0: i32) -> (i32, i32) {
    %c0_i32 = arith.constant 0 : i32
    %c0_i32_0 = arith.constant 0 : i32
    return %c0_i32, %arg0 : i32, i32
  }
  func.func @transform_1(%arg0: i32) -> (i32, i32) {
    %c0_i32 = arith.constant 0 : i32
    %c0_i32_0 = arith.constant 0 : i32
    return %c0_i32, %arg0 : i32, i32
  }
  func.func @transform_2(%arg0: i32) -> (i32, i32) {
    %c0_i32 = arith.constant 0 : i32
    %c0_i32_0 = arith.constant 0 : i32
    return %c0_i32, %arg0 : i32, i32
  }
  func.func @transform_3(%arg0: i32) -> (i32, i32) {
    %c0_i32 = arith.constant 0 : i32
    %c0_i32_0 = arith.constant 0 : i32
    return %c0_i32, %arg0 : i32, i32
  }
}

module attributes {stable_mosaic.version = 14 : i64} {
  func.func @_tc_dense_body(%arg0: i32, %arg1: memref<64x2048xf32, #tpu.memory_space<vmem>>, %arg2: memref<64x2048xf32, #tpu.memory_space<vmem>>, %arg3: memref<2048x128xf32, #tpu.memory_space<vmem>>, %arg4: memref<2048xi32, #tpu.memory_space<vmem>>, %arg5: memref<2048x512xf32, #tpu.memory_space<vmem>>, %arg6: memref<512x64xf32, #tpu.memory_space<vmem>>, %arg7: memref<64x1xf32, #tpu.memory_space<vmem>>, %arg8: memref<1x1x2048xf32, #tpu.memory_space<vmem>>, %arg9: memref<64x2048xf32, #tpu.memory_space<vmem>>, %arg10: memref<64x2048xf32, #tpu.memory_space<vmem>>) attributes {dimension_semantics = [#tpu.dimension_semantics<arbitrary>], iteration_bounds = array<i64: 8>, scalar_prefetch = 0 : i64, scratch_operands = 0 : i64, tpu.core_type = #tpu.core_type<tc>, window_params = [{transform_indices = @transform_0, window_bounds = array<i64: 64, 2048>}, {transform_indices = @transform_1, window_bounds = array<i64: 64, 2048>}, {transform_indices = @transform_2, window_bounds = array<i64: 2048, 128>}, {transform_indices = @transform_3, window_bounds = array<i64: 2048>}, {transform_indices = @transform_4, window_bounds = array<i64: 2048, 512>}, {pipeline_mode = #tpu.pipeline_mode<synchronous>, transform_indices = @transform_5, window_bounds = array<i64: 512, 64>}, {pipeline_mode = #tpu.pipeline_mode<synchronous>, transform_indices = @transform_6, window_bounds = array<i64: 64, 1>}, {transform_indices = @transform_7, window_bounds = array<i64: 1, 1, 2048>}, {transform_indices = @transform_8, window_bounds = array<i64: 64, 2048>}, {transform_indices = @transform_9, window_bounds = array<i64: 64, 2048>}]} {
    %get3A = arith.constant 0 : index
    %get3A_0 = arith.constant 0 : index
    %get3A_1 = vector.load %arg5[%get3A, %get3A_0] : memref<2048x512xf32, #tpu.memory_space<vmem>>, vector<2048x512xf32>
    %get3A_2 = arith.constant 0 : index
    %get3A_3 = arith.constant 0 : index
    %get3A_4 = vector.load %arg6[%get3A_2, %get3A_3] : memref<512x64xf32, #tpu.memory_space<vmem>>, vector<512x64xf32>
    %dot_general3A = arith.constant dense<0.000000e+00> : vector<2048x64xf32>
    %dot_general3A_5 = tpu.matmul %get3A_1, %get3A_4, %dot_general3A {dimension_numbers = #tpu.dot_dimension_numbers<[1], [0], [0], [1], [0, 0, 1, 1], [], []>, transpose_lhs_hint = false} : vector<2048x512xf32>, vector<512x64xf32>, vector<2048x64xf32> -> vector<2048x64xf32>
    %get3A_6 = arith.constant 0 : index
    %get3A_7 = vector.load %arg4[%get3A_6] : memref<2048xi32, #tpu.memory_space<vmem>>, vector<2048xi32>
    %shift_right_logical3A = arith.constant 12 : i32
    %shift_right_logical3A_8 = vector.broadcast %shift_right_logical3A : i32 to vector<2048xi32>
    %shift_right_logical3A_9 = arith.shrui %get3A_7, %shift_right_logical3A_8 : vector<2048xi32>
    %and3A = arith.constant 1 : i32
    %and3A_10 = vector.broadcast %and3A : i32 to vector<2048xi32>
    %and3A_11 = arith.andi %shift_right_logical3A_9, %and3A_10 : vector<2048xi32>
    %broadcast_in_dim3A = vector.shape_cast %and3A_11 : vector<2048xi32> to vector<2048x1xi32>
    %eq3A = arith.constant 1 : i32
    %eq3A_12 = vector.broadcast %eq3A : i32 to vector<2048x1xi32>
    %eq3A_13 = arith.cmpi eq, %broadcast_in_dim3A, %eq3A_12 : vector<2048x1xi32>
    %get3A_14 = arith.constant 0 : index
    %get3A_15 = arith.constant 64 : index
    %get3A_16 = vector.load %arg3[%get3A_14, %get3A_15] : memref<2048x128xf32, #tpu.memory_space<vmem>>, vector<2048x64xf32>
    %get3A_17 = arith.constant 0 : index
    %get3A_18 = arith.constant 0 : index
    %get3A_19 = vector.load %arg3[%get3A_17, %get3A_18] : memref<2048x128xf32, #tpu.memory_space<vmem>>, vector<2048x64xf32>
    %broadcast_in_dim3A_20 = vector.shape_cast %eq3A_13 : vector<2048x1xi1> to vector<2048x1xi1>
    %broadcast_in_dim3A_21 = vector.broadcast %broadcast_in_dim3A_20 : vector<2048x1xi1> to vector<2048x64xi1>
    %select_n3A = arith.select %broadcast_in_dim3A_21, %get3A_16, %get3A_19 : vector<2048x64xi1>, vector<2048x64xf32>
    %transpose3A = tpu.transpose %dot_general3A_5, [1, 0] : vector<2048x64xf32> -> vector<64x2048xf32>
    %get3A_22 = arith.constant 0 : index
    %get3A_23 = arith.constant 0 : index
    %get3A_24 = vector.load %arg7[%get3A_22, %get3A_23] : memref<64x1xf32, #tpu.memory_space<vmem>>, vector<64x1xf32>
    %add3A = vector.broadcast %get3A_24 : vector<64x1xf32> to vector<64x2048xf32>
    %add3A_25 = arith.addf %transpose3A, %add3A : vector<64x2048xf32>
    %transpose3A_26 = tpu.transpose %select_n3A, [1, 0] : vector<2048x64xf32> -> vector<64x2048xf32>
    %broadcast_in_dim3A_27 = arith.constant 1.000000e+00 : f32
    %broadcast_in_dim3A_28 = vector.broadcast %broadcast_in_dim3A_27 : f32 to vector<1x64xf32>
    %mul3A = arith.mulf %add3A_25, %add3A_25 : vector<64x2048xf32>
    %dot_general3A_29 = arith.constant dense<0.000000e+00> : vector<1x2048xf32>
    %dot_general3A_30 = tpu.matmul %broadcast_in_dim3A_28, %mul3A, %dot_general3A_29 {dimension_numbers = #tpu.dot_dimension_numbers<[1], [0], [0], [1], [0, 0, 1, 1], [], []>, transpose_lhs_hint = false} : vector<1x64xf32>, vector<64x2048xf32>, vector<1x2048xf32> -> vector<1x2048xf32>
    %gt3A = arith.constant 1.000000e-24 : f32
    %gt3A_31 = vector.broadcast %gt3A : f32 to vector<1x2048xf32>
    %gt3A_32 = arith.cmpf ogt, %dot_general3A_30, %gt3A_31 : vector<1x2048xf32>
    %rsqrt3A = math.rsqrt %dot_general3A_30 : vector<1x2048xf32>
    %jit3A = arith.constant 9.99999995E+11 : f32
    %broadcast_in_dim3A_33 = vector.broadcast %jit3A : f32 to vector<1x2048xf32>
    %select_n3A_34 = arith.select %gt3A_32, %rsqrt3A, %broadcast_in_dim3A_33 : vector<1x2048xi1>, vector<1x2048xf32>
    %mul3A_35 = vector.broadcast %select_n3A_34 : vector<1x2048xf32> to vector<64x2048xf32>
    %mul3A_36 = arith.mulf %add3A_25, %mul3A_35 : vector<64x2048xf32>
    %get3A_37 = arith.constant 0 : index
    %get3A_38 = arith.constant 0 : index
    %get3A_39 = vector.load %arg1[%get3A_37, %get3A_38] : memref<64x2048xf32, #tpu.memory_space<vmem>>, vector<64x2048xf32>
    %get3A_40 = arith.constant 0 : index
    %get3A_41 = arith.constant 0 : index
    %get3A_42 = vector.load %arg2[%get3A_40, %get3A_41] : memref<64x2048xf32, #tpu.memory_space<vmem>>, vector<64x2048xf32>
    %mul3A_43 = arith.mulf %get3A_39, %get3A_42 : vector<64x2048xf32>
    %mul3A_44 = arith.mulf %transpose3A_26, %mul3A_36 : vector<64x2048xf32>
    %add3A_45 = arith.addf %mul3A_43, %mul3A_44 : vector<64x2048xf32>
    %dot_general3A_46 = arith.constant dense<0.000000e+00> : vector<1x2048xf32>
    %dot_general3A_47 = tpu.matmul %broadcast_in_dim3A_28, %add3A_45, %dot_general3A_46 {dimension_numbers = #tpu.dot_dimension_numbers<[1], [0], [0], [1], [0, 0, 1, 1], [], []>, transpose_lhs_hint = false} : vector<1x64xf32>, vector<64x2048xf32>, vector<1x2048xf32> -> vector<1x2048xf32>
    %broadcast_in_dim3A_48 = vector.shape_cast %dot_general3A_47 : vector<1x2048xf32> to vector<1x1x2048xf32>
    %swap3A = arith.constant 0 : index
    %swap3A_49 = arith.constant 0 : index
    %swap3A_50 = arith.constant 0 : index
    %swap3A_51 = vector.load %arg8[%swap3A, %swap3A_49, %swap3A_50] : memref<1x1x2048xf32, #tpu.memory_space<vmem>>, vector<1x1x2048xf32>
    tpu.vector_store %arg8[%swap3A, %swap3A_49, %swap3A_50], %broadcast_in_dim3A_48 {strides = array<i32>} : memref<1x1x2048xf32, #tpu.memory_space<vmem>>, vector<1x1x2048xf32>,
    %swap3A_52 = arith.constant 0 : index
    %swap3A_53 = arith.constant 0 : index
    %swap3A_54 = vector.load %arg9[%swap3A_52, %swap3A_53] : memref<64x2048xf32, #tpu.memory_space<vmem>>, vector<64x2048xf32>
    tpu.vector_store %arg9[%swap3A_52, %swap3A_53], %transpose3A_26 {strides = array<i32>} : memref<64x2048xf32, #tpu.memory_space<vmem>>, vector<64x2048xf32>,
    %swap3A_55 = arith.constant 0 : index
    %swap3A_56 = arith.constant 0 : index
    %swap3A_57 = vector.load %arg10[%swap3A_55, %swap3A_56] : memref<64x2048xf32, #tpu.memory_space<vmem>>, vector<64x2048xf32>
    tpu.vector_store %arg10[%swap3A_55, %swap3A_56], %mul3A_36 {strides = array<i32>} : memref<64x2048xf32, #tpu.memory_space<vmem>>, vector<64x2048xf32>,
    return
  }
  func.func @transform_0(%arg0: i32) -> (i32, i32) {
    %c0_i32 = arith.constant 0 : i32
    %c0_i32_0 = arith.constant 0 : i32
    return %c0_i32, %arg0 : i32, i32
  }
  func.func @transform_1(%arg0: i32) -> (i32, i32) {
    %c0_i32 = arith.constant 0 : i32
    %c0_i32_0 = arith.constant 0 : i32
    return %c0_i32, %arg0 : i32, i32
  }
  func.func @transform_2(%arg0: i32) -> (i32, i32) {
    %c0_i32 = arith.constant 0 : i32
    %c0_i32_0 = arith.constant 0 : i32
    return %arg0, %c0_i32 : i32, i32
  }
  func.func @transform_3(%arg0: i32) -> i32 {
    %c0_i32 = arith.constant 0 : i32
    return %arg0 : i32
  }
  func.func @transform_4(%arg0: i32) -> (i32, i32) {
    %c0_i32 = arith.constant 0 : i32
    %c0_i32_0 = arith.constant 0 : i32
    return %arg0, %c0_i32 : i32, i32
  }
  func.func @transform_5(%arg0: i32) -> (i32, i32) {
    %c0_i32 = arith.constant 0 : i32
    %c0_i32_0 = arith.constant 0 : i32
    %c0_i32_1 = arith.constant 0 : i32
    return %c0_i32, %c0_i32_0 : i32, i32
  }
  func.func @transform_6(%arg0: i32) -> (i32, i32) {
    %c0_i32 = arith.constant 0 : i32
    %c0_i32_0 = arith.constant 0 : i32
    %c0_i32_1 = arith.constant 0 : i32
    return %c0_i32, %c0_i32_0 : i32, i32
  }
  func.func @transform_7(%arg0: i32) -> (i32, i32, i32) {
    %c0_i32 = arith.constant 0 : i32
    %c0_i32_0 = arith.constant 0 : i32
    %c0_i32_1 = arith.constant 0 : i32
    return %arg0, %c0_i32, %c0_i32_0 : i32, i32, i32
  }
  func.func @transform_8(%arg0: i32) -> (i32, i32) {
    %c0_i32 = arith.constant 0 : i32
    %c0_i32_0 = arith.constant 0 : i32
    return %c0_i32, %arg0 : i32, i32
  }
  func.func @transform_9(%arg0: i32) -> (i32, i32) {
    %c0_i32 = arith.constant 0 : i32
    %c0_i32_0 = arith.constant 0 : i32
    return %c0_i32, %arg0 : i32, i32
  }
}

module attributes {stable_mosaic.version = 14 : i64} {
  func.func @body(%arg0: i32, %arg1: memref<64x8192xf32, #tpu.memory_space<vmem>>, %arg2: memref<4096x128xf32, #tpu.memory_space<vmem>>) attributes {dimension_semantics = [#tpu.dimension_semantics<arbitrary>], iteration_bounds = array<i64: 13>, scalar_prefetch = 0 : i64, scratch_operands = 0 : i64, tpu.core_type = #tpu.core_type<tc>, window_params = [{transform_indices = @transform_0, window_bounds = array<i64: 64, 8192>}, {transform_indices = @transform_1, window_bounds = array<i64: 4096, 128>}]} {
    %get3A = arith.constant 0 : index
    %get3A_0 = arith.constant 0 : index
    %get3A_1 = vector.load %arg1[%get3A, %get3A_0] : memref<64x8192xf32, #tpu.memory_space<vmem>>, vector<64x8192xf32>
    %transpose3A = tpu.transpose %get3A_1, [1, 0] : vector<64x8192xf32> -> vector<8192x64xf32>
    %slice3A = vector.extract_strided_slice %transpose3A {offsets = [0, 0], sizes = [4096, 64], strides = [1, 1]} : vector<8192x64xf32> to vector<4096x64xf32>
    %slice3A_2 = vector.extract_strided_slice %transpose3A {offsets = [4096, 0], sizes = [4096, 64], strides = [1, 1]} : vector<8192x64xf32> to vector<4096x64xf32>
    %concatenate3A = tpu.concatenate %slice3A, %slice3A_2 in 1 : vector<4096x64xf32>, vector<4096x64xf32> -> vector<4096x128xf32>
    %swap3A = arith.constant 0 : index
    %swap3A_3 = arith.constant 0 : index
    %swap3A_4 = vector.load %arg2[%swap3A, %swap3A_3] : memref<4096x128xf32, #tpu.memory_space<vmem>>, vector<4096x128xf32>
    tpu.vector_store %arg2[%swap3A, %swap3A_3], %concatenate3A {strides = array<i32>} : memref<4096x128xf32, #tpu.memory_space<vmem>>, vector<4096x128xf32>,
    return
  }
  func.func @transform_0(%arg0: i32) -> (i32, i32) {
    %c0_i32 = arith.constant 0 : i32
    %c0_i32_0 = arith.constant 0 : i32
    return %c0_i32, %arg0 : i32, i32
  }
  func.func @transform_1(%arg0: i32) -> (i32, i32) {
    %c0_i32 = arith.constant 0 : i32
    %c0_i32_0 = arith.constant 0 : i32
    return %arg0, %c0_i32 : i32, i32
  }
}

</mosaic_0001>

<sc_bundles>
// kernel: kernel.10.cloned.1.call-start
scs
__scs_entry_jumppad:
0x0: {  	(pc) =	sbr.rel $0x88, $3  }
0x1: {  	(tag) =	ssettag $0x0;
	lr =	simm.s32 $0x1  }
0x2: {  	[smem:$0x3F99] =	sst lr;
	_ =	strace $0xD0000000  }
0x3: {  	_ = 	snop  }
0x4: {  	_ = 	snop  }
0x5: {  	_ = 	snop  }
0x6: {  	_ = 	snop  }
0x7: {  	_ = 	snop  }
__scs_overlays_trampoline_lowered:
0x8: {  	[smem:$0x3FA8] =	sst s0  }
0x9: {  	[smem:$0x3FA9] =	sst s1  }
0xa: {  	[smem:$0x3FAA] =	sst s2  }
0xb: {  	[smem:$0x3FAB] =	sst s3  }
0xc: {  	[smem:$0x3FAC] =	sst s4  }
0xd: {  	[smem:$0x3FAD] =	sst s5  }
0xe: {  	[smem:$0x3FAE] =	sst s6  }
0xf: {  	[smem:$0x3FAF] =	sst s7  }
0x10: {  	[smem:$0x3FB0] =	sst s8  }
0x11: {  	[smem:$0x3FB1] =	sst s9;
	s0 =	simm.s32 @!p0 $0x0  }
0x12: {  	s1 =	sld [smem:$0x3F97];
	s0 =	simm.s32 @p0 $0x1  }
0x13: {  	[smem:$0x3FB2] =	sst s0;
	s0 =	simm.s32 @!p1 $0x0  }
0x14: {  	s2 =	sld [smem:$0x3F96];
	s0 =	simm.s32 @p1 $0x1  }
0x15: {  	[smem:$0x3FB3] =	sst s0;
	s0 =	simm.s32 @!p2 $0x0  }
0x16: {  	s3 =	sld [smem:$0x3FDB];
	s0 =	simm.s32 @p2 $0x1  }
0x17: {  	s4 =	simm.s32 $0x1BF5;
	[smem:$0x3FB5] =	sst s0  }
0x18: {  	s0 =	sld [smem:$0x3F98];
	_ =	swait.ge [sflag:s4], $0x0  }
0x19: {  	s7 =	sld [smem:$0x3F99]  }
0x1a: {  	s8 =	sadd.s32 $0xFFFFE003, lr  }
0x1b: {  	s9 =	sadd.s32 $0xFFFFFEF7, lr;
	s5 =	simm.s32 $0xFFFFFFFF;
	p2 =	slt.u32 s8, $0xFFFFF086  }
0x1c: {  	p1 =	slt.u32 s9, $0xF7A;
	s5 =	simm.s32 @!p2 $0x0  }
0x1d: {  	s5 =	simm.s32 @p1 $0x1;
	p0 =	seq.s32 s7, s2  }
0x1e: {  	s7 =	smul.u32 @!p0 $0xF7A, s2;
	p2 =	seq.s32 @!p0 s5, $0x0  }
0x1f: {  	s9 =	smul.u32 $0xF7A, s1;
	s8 =	simm.s32 @!p0 $0x1BF5;
	p2 =	por !p2, p0  }
0x20: {  	[sflag:s8] =	ssyncset.s32 @!p0 $0xFFFFF086;
	s6 =	sadd.s32 @!p0 s3, s7;
	s7 =	simm.s32 @!p0 $0x108  }
0x21: {  	s3 =	sadd.s32 s3, s9;
	s6 =	sadd.s32 @!p0 $0x88, s6;
	s7 =	simm.s32 @p2 $0x1082  }
0x22: {  	[simem:s7], [sflag:s8] =	dma.local @!p0 [hbm:s6], $0xF7A  }
0x23: {  	s9 =	sor.u32 $0xD0000000, s2;
	s6 =	simm.s32 $0x108;
	_ =	swait.ge @!p0 [sflag:s8], $0x0  }
0x24: {  	s3 =	sadd.s32 $0x88, s3;
	s6 =	simm.s32 @!p1 $0x1082;
	[sflag:s4] =	ssyncset.s32 $0xFFFFF086  }
0x25: {  	[simem:s6], [sflag:s4] =	dma.local [hbm:s3], $0xF7A  }
0x26: {  	[smem:$0x3F99] =	sst s1;
	(tag) =	ssettag s2;
	_ =	strace s9  }
0x27: {  	s1 =	sld [smem:$0x3FA9]  }
0x28: {  	s2 =	sld [smem:$0x3FAA]  }
0x29: {  	s4 =	sld [smem:$0x3FAC]  }
0x2a: {  	p0 =	seq.s32 s5, $0x0;
	s5 =	sld [smem:$0x3FAD]  }
0x2b: {  	s6 =	sld [smem:$0x3FAE]  }
0x2c: {  	s7 =	sld [smem:$0x3FAF]  }
0x2d: {  	s3 =	simm.s32 $0x108;
	s8 =	sld [smem:$0x3FB0]  }
0x2e: {  	s3 =	simm.s32 @!p0 $0x1082;
	s9 =	sld [smem:$0x3FB1]  }
0x2f: {  	lr =	sadd.s32 s0, s3;
	s0 =	sld [smem:$0x3FA8]  }
0x30: {  	s3 =	sld [smem:$0x3FAB]  }
0x31: {  	[smem:$0x3FB4] =	sst s10  }
0x32: {  	s10 =	sld [smem:$0x3FB2];
	_ =	sdelay $0x3  }
0x33: {  	p0 =	seq.s32 s10, $0x1;
	s10 =	sld [smem:$0x3FB4];
	_ =	sdelay $0x3  }
0x34: {  	[smem:$0x3FB4] =	sst s10  }
0x35: {  	s10 =	sld [smem:$0x3FB3];
	_ =	sdelay $0x3  }
0x36: {  	p1 =	seq.s32 s10, $0x1;
	s10 =	sld [smem:$0x3FB4];
	_ =	sdelay $0x3  }
0x37: {  	[smem:$0x3FB4] =	sst s10  }
0x38: {  	s10 =	sld [smem:$0x3FB5]  }
0x39: {  	_ = 	snop;
	(pc) =	sbr.ind lr, $3  }
0x3a: {  	_ = 	snop  }
0x3b: {  	_ = 	snop  }
0x3c: {  	p2 =	seq.s32 s10, $0x1;
	s10 =	sld [smem:$0x3FB4]  }
0x3d: {  	_ =	shalt  }
0x3e: {  	_ =	shalt  }
0x3f: {  	_ =	shalt  }
0x40: {  	_ =	shalt  }
0x41: {  	_ =	shalt  }
0x42: {  	_ =	shalt  }
0x43: {  	_ =	shalt  }
0x44: {  	_ =	shalt  }
0x45: {  	_ =	shalt  }
0x46: {  	_ =	shalt  }
0x47: {  	_ =	shalt  }
0x48: {  	_ =	shalt  }
0x49: {  	_ =	shalt  }
0x4a: {  	_ =	shalt  }
0x4b: {  	_ =	shalt  }
0x4c: {  	_ =	shalt  }
0x4d: {  	_ =	shalt  }
0x4e: {  	_ =	shalt  }
0x4f: {  	_ =	shalt  }
0x50: {  	_ =	shalt  }
0x51: {  	_ =	shalt  }
0x52: {  	_ =	shalt  }
0x53: {  	_ =	shalt  }
0x54: {  	_ =	shalt  }
0x55: {  	_ =	shalt  }
0x56: {  	_ =	shalt  }
0x57: {  	_ =	shalt  }
0x58: {  	_ =	shalt  }
0x59: {  	_ =	shalt  }
0x5a: {  	_ =	shalt  }
0x5b: {  	_ =	shalt  }
0x5c: {  	_ =	shalt  }
0x5d: {  	_ =	shalt  }
0x5e: {  	_ =	shalt  }
0x5f: {  	_ =	shalt  }
0x60: {  	_ =	shalt  }
0x61: {  	_ =	shalt  }
0x62: {  	_ =	shalt  }
0x63: {  	_ =	shalt  }
0x64: {  	_ =	shalt  }
0x65: {  	_ =	shalt  }
0x66: {  	_ =	shalt  }
0x67: {  	_ =	shalt  }
0x68: {  	_ =	shalt  }
0x69: {  	_ =	shalt  }
0x6a: {  	_ =	shalt  }
0x6b: {  	_ =	shalt  }
0x6c: {  	_ =	shalt  }
0x6d: {  	_ =	shalt  }
0x6e: {  	_ =	shalt  }
0x6f: {  	_ =	shalt  }
0x70: {  	_ =	shalt  }
0x71: {  	_ =	shalt  }
0x72: {  	_ =	shalt  }
0x73: {  	_ =	shalt  }
0x74: {  	_ =	shalt  }
0x75: {  	_ =	shalt  }
0x76: {  	_ =	shalt  }
0x77: {  	_ =	shalt  }
0x78: {  	_ =	shalt  }
0x79: {  	_ =	shalt  }
0x7a: {  	_ =	shalt  }
0x7b: {  	_ =	shalt  }
0x7c: {  	_ =	shalt  }
0x7d: {  	_ =	shalt  }
0x7e: {  	_ =	shalt  }
0x7f: {  	_ =	shalt  }
0x80: {  	_ =	shalt  }
0x81: {  	_ =	shalt  }
0x82: {  	_ =	shalt  }
0x83: {  	_ =	shalt  }
0x84: {  	_ =	shalt  }
0x85: {  	_ =	shalt  }
0x86: {  	_ =	shalt  }
0x87: {  	_ =	shalt  }
.Lfunc_end0:
.L_simem_size_0:
called_computation.1_lowered:
.L_overlay_start_0:
0x88: {  	s2 =	sld [smem:$0x3FD9]  }
0x89: {  	s3 =	sld [smem:$0x3FFE];
	_ =	sdelay $0x1  }
0x8a: {  	s1 =	srdreg.scid  }
0x8b: {  	s0 =	sand.u32 $0x1, s1  }
0x8c: {  	s14 =	sshll.u32 s0, $0xA;
	s2 =	sadd.s32 s3, s2  }
0x8d: {  	s2 =	sadd.s32 s2, s14  }
0x8e: {  	[smem:$0x3FC0] =	sst s2  }
0x8f: {  	_ = 	snop  }
0x90: {  	s2 =	sld [smem:$0x3FD0];
	_ =	sdelay $0x2  }
0x91: {  	s15 =	simm.s32 $0xA;
	s4 =	simm.s32 $0x10  }
0x92: {  	[smem:s4], [sflag:s15] =	dma.local [hbm:s2], $0x1  }
0x93: {  	_ =	swait.eq [sflag:s15], $0x1  }
0x94: {  	[sflag:s15] =	ssyncset.done $0x0  }
0x95: {  	[sflag:s15] =	ssyncadd.s32 $0xFFFFFFFF  }
0x96: {  	s16 =	sld [smem:$0x10];
	(tm) =	ssettm $0x1  }
0x97: {  	s17 =	sld [smem:$0x3FFB];
	_ =	sdelay $0x3  }
0x98: {  	_ =	strace s17  }
0x99: {  	s3 =	sld [smem:$0x3FFC];
	_ =	sdelay $0x3  }
0x9a: {  	_ =	strace s3  }
0x9b: {  	s3 =	sld [smem:$0x3FFD];
	_ =	sdelay $0x3  }
0x9c: {  	_ =	strace s3  }
0x9d: {  	_ =	strace $0x8FFFFFFF  }
0x9e: {  	s18 =	sld [smem:$0x3FDB];
	_ =	sdelay $0x1  }
0x9f: {  	s19 =	simm.s32 $_scs_section_size  }
0xa0: {  	s5 =	simm.s32 $_size__tile_overlayer_lowered;
	s6 =	simm.s32 $_tile_overlayer_lowered  }
0xa1: {  	s22 =	simm.s32 $0x1BFF;
	s21 =	sshll.u32 s6, $0x1;
	s3 =	sadd.s32 s19, s18  }
0xa2: {  	s7 =	simm.s32 $0x0;
	s20 =	sshll.u32 s5, $0x1;
	s5 =	sadd.s32 s21, s3  }
0xa3: {  	[timem:s7], [sflag:s22] =	dma.local [hbm:s5], s20  }
0xa4: {  	_ =	swait.ge [sflag:s22], s20  }
0xa5: {  	s4 =	ssub.s32 $0x0, s20;
	[sflag:s22] =	ssyncset.done $0x0  }
0xa6: {  	[sflag:s22] =	ssyncadd.s32 s4;
	_ =	sdelay $0x1  }
0xa7: {  	s23 =	simm.s32 $0x1B8B  }
0xa8: {  	_ =	swait.ge [sflag:s23], $0x1  }
0xa9: {  	[sflag:s23] =	ssyncset.done $0x0  }
0xaa: {  	s25 =	simm.s32 $0x1B8E;
	s24 =	sld [smem:$0x3FFE];
	[sflag:s23] =	ssyncadd.s32 $0xFFFFFFFF  }
0xab: {  	s26 =	simm.s32 $execute0_lowered;
	[smem:$0x3FD2] =	sst s25  }
0xac: {  	s5 =	sshll.u32 s26, $0x1;
	_ =	strace $0x80000049;
	[dreg:$0x1] =	wrdreg $0xFFFFFFFF  }
0xad: {  	s28 =	simm.s32 $_size_execute0_lowered;
	s3 =	sadd.s32 s3, s5;
	[dreg:$0x0] =	wrdreg $0x0  }
0xae: {  	s5 =	sshll.u32 s28, $0x1;
	[dreg:$0x2] =	wrdreg s3  }
0xaf: {  	[dreg:$0x3] =	wrdreg s5  }
0xb0: {  	[dreg:$0x4] =	wrdreg $0xC0  }
0xb1: {  	_ =	task [dreg:s7], $0x5FFFF  }
0xb2: {  	[dreg:$0x1] =	wrdreg $0xFFFFFFFF  }
0xb3: {  	[dreg:$0x0] =	wrdreg $0x60  }
0xb4: {  	[dreg:$0x2] =	wrdreg s16  }
0xb5: {  	[dreg:$0x3] =	wrdreg s24  }
0xb6: {  	[dreg:$0x4] =	wrdreg $0x9  }
0xb7: {  	_ =	task.clear_ibuf [dreg:s7], $0x5FFFF;
	_ =	strace $0x90000049  }
0xb8: {  	s29 =	simm.s32 $0x9;
	_ =	strace $0x8000004B  }
0xb9: {  	_ =	swait.ge [sflag:s29], $0x1  }
0xba: {  	[sflag:s29] =	ssyncadd.s32 $0xFFFFFFFF  }
0xbb: {  	_ =	strace $0x9000004B  }
0xbc: {  	_ =	sfence  }
0xbd: {  	s30 =	sld [smem:$0x0];
	_ =	sdelay $0x2  }
0xbe: {  	s31 =	sshll.u32 s1, $0xD;
	s1 =	sshrl.u32 s1, $0x2  }
0xbf: {  	s3 =	sand.u32 $0x4000, s31;
	s1 =	sadd.s32 s1, s30  }
0xc0: {  	s0 =	sor.u32 s3, s0;
	s1 =	sshll.u32 s1, $0x11  }
0xc1: {  	s0 =	sor.u32 s1, s0  }
0xc2: {  	s0 =	sadd.s32 $0x8F2B, s0  }
0xc3: {  	[sflag:s0] =	ssyncadd.remote.s32 $0x1  }
0xc4: {  	_ =	sfence.sel $0xFFFF  }
0xc5: {  	[dreg:$0x0] =	wrdreg $0xFFFFFFFF;
	(pc) =	sbr.abs _section_cstart, $3  }
0xc6: {  	[dreg:$0x1] =	wrdreg $0xFFFFFFFF  }
0xc7: {  	_ =	task.clear_ibuf [dreg:s7], $0x2FFFF;
	_ =	strace $0x9FFFFFFF  }
0xc8: {  	(tm) =	ssettm $0x7FFFFFFF  }
0xc9: {  	_ =	shalt  }
tec
execute0_lowered:
.L_overlay_start_1:
0x0: {  	(tag) =	ssettag $0x1  }
0x1: {  	s1 =	srdreg.scid  }
0x2: {  	s3 =	rddreg [dreg:$0x0];
	s0 =	stileid.u32;
	s16 =	sand.u32 $0x1, s1  }
0x3: {  	s10 =	rddreg [dreg:$0x1];
	s4 =	sshll.u32 s0, $0xA;
	s5 =	sshll.u32 s16, $0x9  }
0x4: {  	s2 =	simm.s32 $0x0;
	s1 =	rddreg [dreg:$0x2];
	s11 =	sor.u32 s5, s4  }
0x5: {  	[smem:$0x7FF] =	sst s2;
	s4 =	sshrl.u32 s11, $0x3  }
0x6: {  	_ =	strace $0x8000004A;
	s4 =	sadd.s32 s3, s4;
	s3 =	simm.s32 $0x3  }
0x7: {  	[tilespmem:s2], [sflag:$0x3] =	stream.linear.gather [hbm4b:s4+s2], $0x200, $0x38;
	[tilespmem:$0x8200] =	vst v63  }
0x8: {  	_ =	swait.ge [sflag:s3], $0x200  }
0x9: {  	s6 =	simm.s32 $0x80;
	[sflag:s3] =	ssyncset.done $0x0  }
0xa: {  	s7 =	simm.s32 $0x200;
	s5 =	sadd.s32 $0x101800, s10;
	[sflag:s3] =	ssyncadd.s32 $0xFFFFFE00  }
0xb: {  	[tilespmem:s7], [sflag:$0x1] =	stream.indirect.gather [hbm4b:s5+s6], $0x80, s2, s6, $0xb8;
	[tilespmem:$0x8200] =	vst v63  }
0xc: {  	s8 =	simm.s32 $0x4200;
	s9 =	simm.s32 $0x1  }
0xd: {  	[tilespmem:s8], [sflag:$0x2] =	stream.indirect.gather [hbm4b:s5+s6], $0x80, s6, s6, $0xb8;
	[tilespmem:$0x8200] =	vst v63  }
0xe: {  	s11 =	sshll.u32 s11, $0x4;
	_ =	swait.ge [sflag:s9], $0x4000  }
0xf: {  	s17 =	sadd.s32 s11, s10;
	[sflag:s9] =	ssyncset.done $0x0  }
0x10: {  	s10 =	sadd.s32 $0x1D1800, s17;
	[sflag:s9] =	ssyncadd.s32 $0xFFFFC000  }
0x11: {  	[hbm4b:s10+s2] =	stream.linear.scatter [tilespmem:s7], [sflag:$0x3], $0x4000, $0x38;
	[tilespmem:$0x8200] =	vst v63  }
0x12: {  	_ =	swait.ge [sflag:s3], $0x4000  }
0x13: {  	[sflag:s3] =	ssyncset.done $0x0  }
0x14: {  	s12 =	simm.s32 $0x2;
	s11 =	simm.s32 $0x100;
	[sflag:s3] =	ssyncadd.s32 $0xFFFFC000  }
0x15: {  	[tilespmem:s7], [sflag:$0x1] =	stream.indirect.gather [hbm4b:s5+s6], $0x80, s11, s6, $0xb8;
	[tilespmem:$0x8200] =	vst v63  }
0x16: {  	_ =	swait.ge [sflag:s12], $0x4000  }
0x17: {  	[sflag:s12] =	ssyncset.done $0x0  }
0x18: {  	s13 =	sadd.s32 $0x1D2000, s17;
	[sflag:s12] =	ssyncadd.s32 $0xFFFFC000  }
0x19: {  	[hbm4b:s13+s2] =	stream.linear.scatter [tilespmem:s8], [sflag:$0x3], $0x4000, $0x38;
	[tilespmem:$0x8200] =	vst v63  }
0x1a: {  	_ =	swait.ge [sflag:s3], $0x4000  }
0x1b: {  	[sflag:s3] =	ssyncset.done $0x0  }
0x1c: {  	s14 =	simm.s32 $0x180;
	[sflag:s3] =	ssyncadd.s32 $0xFFFFC000  }
0x1d: {  	[tilespmem:s8], [sflag:$0x2] =	stream.indirect.gather [hbm4b:s5+s6], $0x80, s14, s6, $0xb8;
	[tilespmem:$0x8200] =	vst v63  }
0x1e: {  	_ =	swait.ge [sflag:s9], $0x4000  }
0x1f: {  	[sflag:s9] =	ssyncset.done $0x0  }
0x20: {  	s16 =	ssub.s32 $0x2, s16;
	s15 =	sadd.s32 $0x1D2800, s17;
	[sflag:s9] =	ssyncadd.s32 $0xFFFFC000  }
0x21: {  	[hbm4b:s15+s2] =	stream.linear.scatter [tilespmem:s7], [sflag:$0x3], $0x4000, $0x38;
	[tilespmem:$0x8200] =	vst v63  }
0x22: {  	s18 =	sshrl.u32 s16, $0x1;
	_ =	swait.ge [sflag:s3], $0x4000  }
0x23: {  	s18 =	ssub.s32 s16, s18;
	[sflag:s3] =	ssyncset.done $0x0  }
0x24: {  	s31 =	smax.u32 s18, $0x1;
	[sflag:s3] =	ssyncadd.s32 $0xFFFFC000  }
0x25: {  	p0 =	sne.s32 s31, $0x1;
	_ =	swait.ge [sflag:s12], $0x4000  }
.Ltmp0:
0x26: {  	[sflag:s12] =	ssyncset.done $0x0;
	(pc) =	sbr.rel @!p0 .LBB2_2-.Ltmp0, $4  }
0x27: {  	s16 =	sadd.s32 $0x1D3000, s17;
	[sflag:s12] =	ssyncadd.s32 $0xFFFFC000  }
0x28: {  	[hbm4b:s16+s2] =	stream.linear.scatter [tilespmem:s8], [sflag:$0x3], $0x4000, $0x38;
	[tilespmem:$0x8200] =	vst v63  }
0x29: {  	_ =	swait.ge [sflag:s3], $0x4000  }
0x2a: {  	s17 =	sadd.s32 $0xFFFFFFFF, s31;
	[sflag:s3] =	ssyncset.done $0x0  }
.LBB2_1:
0x2b: {  	p0 =	sne.s32 s17, $0x1;
	s17 =	sadd.s32 $0xFFFFFFFF, s17;
	[sflag:s3] =	ssyncadd.s32 $0xFFFFC000  }
0x2c: {  	[tilespmem:s2], [sflag:$0x3] =	stream.linear.gather [hbm4b:s4+s2], $0x200, $0x38;
	[tilespmem:$0x8200] =	vst v63  }
0x2d: {  	_ =	swait.ge [sflag:s3], $0x200  }
0x2e: {  	[sflag:s3] =	ssyncset.done $0x0  }
0x2f: {  	[sflag:s3] =	ssyncadd.s32 $0xFFFFFE00  }
0x30: {  	[tilespmem:s7], [sflag:$0x1] =	stream.indirect.gather [hbm4b:s5+s6], $0x80, s2, s6, $0xb8;
	[tilespmem:$0x8200] =	vst v63  }
0x31: {  	_ = 	snop  }
0x32: {  	[tilespmem:s8], [sflag:$0x2] =	stream.indirect.gather [hbm4b:s5+s6], $0x80, s6, s6, $0xb8;
	[tilespmem:$0x8200] =	vst v63  }
0x33: {  	_ =	swait.ge [sflag:s9], $0x4000  }
0x34: {  	[sflag:s9] =	ssyncset.done $0x0  }
0x35: {  	[sflag:s9] =	ssyncadd.s32 $0xFFFFC000  }
0x36: {  	[hbm4b:s10+s2] =	stream.linear.scatter [tilespmem:s7], [sflag:$0x3], $0x4000, $0x38;
	[tilespmem:$0x8200] =	vst v63  }
0x37: {  	_ =	swait.ge [sflag:s3], $0x4000  }
0x38: {  	[sflag:s3] =	ssyncset.done $0x0  }
0x39: {  	[sflag:s3] =	ssyncadd.s32 $0xFFFFC000  }
0x3a: {  	[tilespmem:s7], [sflag:$0x1] =	stream.indirect.gather [hbm4b:s5+s6], $0x80, s11, s6, $0xb8;
	[tilespmem:$0x8200] =	vst v63  }
0x3b: {  	_ =	swait.ge [sflag:s12], $0x4000  }
0x3c: {  	[sflag:s12] =	ssyncset.done $0x0  }
0x3d: {  	[sflag:s12] =	ssyncadd.s32 $0xFFFFC000  }
0x3e: {  	[hbm4b:s13+s2] =	stream.linear.scatter [tilespmem:s8], [sflag:$0x3], $0x4000, $0x38;
	[tilespmem:$0x8200] =	vst v63  }
0x3f: {  	_ =	swait.ge [sflag:s3], $0x4000  }
0x40: {  	[sflag:s3] =	ssyncset.done $0x0  }
0x41: {  	[sflag:s3] =	ssyncadd.s32 $0xFFFFC000  }
0x42: {  	[tilespmem:s8], [sflag:$0x2] =	stream.indirect.gather [hbm4b:s5+s6], $0x80, s14, s6, $0xb8;
	[tilespmem:$0x8200] =	vst v63  }
0x43: {  	_ =	swait.ge [sflag:s9], $0x4000  }
0x44: {  	[sflag:s9] =	ssyncset.done $0x0  }
0x45: {  	[sflag:s9] =	ssyncadd.s32 $0xFFFFC000  }
0x46: {  	[hbm4b:s15+s2] =	stream.linear.scatter [tilespmem:s7], [sflag:$0x3], $0x4000, $0x38;
	[tilespmem:$0x8200] =	vst v63  }
0x47: {  	_ =	swait.ge [sflag:s3], $0x4000  }
0x48: {  	[sflag:s3] =	ssyncset.done $0x0  }
0x49: {  	[sflag:s3] =	ssyncadd.s32 $0xFFFFC000  }
0x4a: {  	_ =	swait.ge [sflag:s12], $0x4000  }
.Ltmp1:
0x4b: {  	[sflag:s12] =	ssyncset.done $0x0;
	(pc) =	sbr.rel @p0 .LBB2_1-.Ltmp1, $4  }
0x4c: {  	[sflag:s12] =	ssyncadd.s32 $0xFFFFC000  }
0x4d: {  	[hbm4b:s16+s2] =	stream.linear.scatter [tilespmem:s8], [sflag:$0x3], $0x4000, $0x38;
	[tilespmem:$0x8200] =	vst v63  }
0x4e: {  	_ =	swait.ge [sflag:s3], $0x4000  }
0x4f: {  	[sflag:s3] =	ssyncset.done $0x0  }
.LBB2_2:
0x50: {  	[sflag:s3] =	ssyncadd.s32 $0xFFFFC000  }
0x51: {  	_ =	sfence.sel $0x180000  }
0x52: {  	[bflag:$0x0] =	sbarrier.arrive $0xFFFF  }
0x53: {  	p0 =	sne.s32 s0, $0x0;
	_ =	strace $0x9000004A  }
0x54: {  	s0 =	sadd.s32 @!p0 $0x100000, s1;
	[bflag:$0x2] =	sbarrier.arrive $0xFFFF  }
0x55: {  	[sflag:s0] =	ssyncadd.tile.s32 @!p0 $0x1;
	_ =	shalt  }
.Lfunc_end2:
_tile_overlayer_lowered:
.L_overlay_start_2:
0x56: {  	(tag) =	ssettag $0x2  }
0x57: {  	s0 =	rddreg [dreg:$0x0];
	s2 =	stileid.u32  }
0x58: {  	s1 =	rddreg [dreg:$0x1];
	p0 =	sne.s32 s2, $0x0  }
0x59: {  	s3 =	rddreg [dreg:$0x2];
	[bflag:$0x3] =	sbarrier.arrive $0xFFFF;
	s2 =	simm.s32 @!p0 $0x1C03  }
0x5a: {  	[timem:s3], [sflag:s2] =	dma.local @!p0 [hbm:s0], s1  }
0x5b: {  	s0 =	simm.s32 @!p0 $0x3  }
0x5c: {  	_ =	swait.ge @!p0 [sflag:s0], s1  }
0x5d: {  	s1 =	ssub.s32 @!p0 $0x0, s1;
	[sflag:s0] =	ssyncset.done @!p0 $0x0  }
0x5e: {  	[sflag:s0] =	ssyncadd.s32 @!p0 s1  }
0x5f: {  	[bflag:$0x3] =	sbarrier.arrive $0xFFFF  }
0x60: {  	_ =	shalt  }

// kernel: kernel.7.cloned.1.call-start
scs
__scs_entry_jumppad:
0x0: {  	(pc) =	sbr.rel $0x88, $3  }
0x1: {  	(tag) =	ssettag $0x0;
	lr =	simm.s32 $0x1  }
0x2: {  	[smem:$0x3F99] =	sst lr;
	_ =	strace $0xD0000000  }
0x3: {  	_ = 	snop  }
0x4: {  	_ = 	snop  }
0x5: {  	_ = 	snop  }
0x6: {  	_ = 	snop  }
0x7: {  	_ = 	snop  }
__scs_overlays_trampoline_lowered:
0x8: {  	[smem:$0x3FA8] =	sst s0  }
0x9: {  	[smem:$0x3FA9] =	sst s1  }
0xa: {  	[smem:$0x3FAA] =	sst s2  }
0xb: {  	[smem:$0x3FAB] =	sst s3  }
0xc: {  	[smem:$0x3FAC] =	sst s4  }
0xd: {  	[smem:$0x3FAD] =	sst s5  }
0xe: {  	[smem:$0x3FAE] =	sst s6  }
0xf: {  	[smem:$0x3FAF] =	sst s7  }
0x10: {  	[smem:$0x3FB0] =	sst s8  }
0x11: {  	[smem:$0x3FB1] =	sst s9;
	s0 =	simm.s32 @!p0 $0x0  }
0x12: {  	s1 =	sld [smem:$0x3F97];
	s0 =	simm.s32 @p0 $0x1  }
0x13: {  	[smem:$0x3FB2] =	sst s0;
	s0 =	simm.s32 @!p1 $0x0  }
0x14: {  	s2 =	sld [smem:$0x3F96];
	s0 =	simm.s32 @p1 $0x1  }
0x15: {  	[smem:$0x3FB3] =	sst s0;
	s0 =	simm.s32 @!p2 $0x0  }
0x16: {  	s3 =	sld [smem:$0x3FDB];
	s0 =	simm.s32 @p2 $0x1  }
0x17: {  	s4 =	simm.s32 $0x1BF5;
	[smem:$0x3FB5] =	sst s0  }
0x18: {  	s0 =	sld [smem:$0x3F98];
	_ =	swait.ge [sflag:s4], $0x0  }
0x19: {  	s7 =	sld [smem:$0x3F99]  }
0x1a: {  	s8 =	sadd.s32 $0xFFFFE003, lr  }
0x1b: {  	s9 =	sadd.s32 $0xFFFFFEF7, lr;
	s5 =	simm.s32 $0xFFFFFFFF;
	p2 =	slt.u32 s8, $0xFFFFF086  }
0x1c: {  	p1 =	slt.u32 s9, $0xF7A;
	s5 =	simm.s32 @!p2 $0x0  }
0x1d: {  	s5 =	simm.s32 @p1 $0x1;
	p0 =	seq.s32 s7, s2  }
0x1e: {  	s7 =	smul.u32 @!p0 $0xF7A, s2;
	p2 =	seq.s32 @!p0 s5, $0x0  }
0x1f: {  	s9 =	smul.u32 $0xF7A, s1;
	s8 =	simm.s32 @!p0 $0x1BF5;
	p2 =	por !p2, p0  }
0x20: {  	[sflag:s8] =	ssyncset.s32 @!p0 $0xFFFFF086;
	s6 =	sadd.s32 @!p0 s3, s7;
	s7 =	simm.s32 @!p0 $0x108  }
0x21: {  	s3 =	sadd.s32 s3, s9;
	s6 =	sadd.s32 @!p0 $0x88, s6;
	s7 =	simm.s32 @p2 $0x1082  }
0x22: {  	[simem:s7], [sflag:s8] =	dma.local @!p0 [hbm:s6], $0xF7A  }
0x23: {  	s9 =	sor.u32 $0xD0000000, s2;
	s6 =	simm.s32 $0x108;
	_ =	swait.ge @!p0 [sflag:s8], $0x0  }
0x24: {  	s3 =	sadd.s32 $0x88, s3;
	s6 =	simm.s32 @!p1 $0x1082;
	[sflag:s4] =	ssyncset.s32 $0xFFFFF086  }
0x25: {  	[simem:s6], [sflag:s4] =	dma.local [hbm:s3], $0xF7A  }
0x26: {  	[smem:$0x3F99] =	sst s1;
	(tag) =	ssettag s2;
	_ =	strace s9  }
0x27: {  	s1 =	sld [smem:$0x3FA9]  }
0x28: {  	s2 =	sld [smem:$0x3FAA]  }
0x29: {  	s4 =	sld [smem:$0x3FAC]  }
0x2a: {  	p0 =	seq.s32 s5, $0x0;
	s5 =	sld [smem:$0x3FAD]  }
0x2b: {  	s6 =	sld [smem:$0x3FAE]  }
0x2c: {  	s7 =	sld [smem:$0x3FAF]  }
0x2d: {  	s3 =	simm.s32 $0x108;
	s8 =	sld [smem:$0x3FB0]  }
0x2e: {  	s3 =	simm.s32 @!p0 $0x1082;
	s9 =	sld [smem:$0x3FB1]  }
0x2f: {  	lr =	sadd.s32 s0, s3;
	s0 =	sld [smem:$0x3FA8]  }
0x30: {  	s3 =	sld [smem:$0x3FAB]  }
0x31: {  	[smem:$0x3FB4] =	sst s10  }
0x32: {  	s10 =	sld [smem:$0x3FB2];
	_ =	sdelay $0x3  }
0x33: {  	p0 =	seq.s32 s10, $0x1;
	s10 =	sld [smem:$0x3FB4];
	_ =	sdelay $0x3  }
0x34: {  	[smem:$0x3FB4] =	sst s10  }
0x35: {  	s10 =	sld [smem:$0x3FB3];
	_ =	sdelay $0x3  }
0x36: {  	p1 =	seq.s32 s10, $0x1;
	s10 =	sld [smem:$0x3FB4];
	_ =	sdelay $0x3  }
0x37: {  	[smem:$0x3FB4] =	sst s10  }
0x38: {  	s10 =	sld [smem:$0x3FB5]  }
0x39: {  	_ = 	snop;
	(pc) =	sbr.ind lr, $3  }
0x3a: {  	_ = 	snop  }
0x3b: {  	_ = 	snop  }
0x3c: {  	p2 =	seq.s32 s10, $0x1;
	s10 =	sld [smem:$0x3FB4]  }
0x3d: {  	_ =	shalt  }
0x3e: {  	_ =	shalt  }
0x3f: {  	_ =	shalt  }
0x40: {  	_ =	shalt  }
0x41: {  	_ =	shalt  }
0x42: {  	_ =	shalt  }
0x43: {  	_ =	shalt  }
0x44: {  	_ =	shalt  }
0x45: {  	_ =	shalt  }
0x46: {  	_ =	shalt  }
0x47: {  	_ =	shalt  }
0x48: {  	_ =	shalt  }
0x49: {  	_ =	shalt  }
0x4a: {  	_ =	shalt  }
0x4b: {  	_ =	shalt  }
0x4c: {  	_ =	shalt  }
0x4d: {  	_ =	shalt  }
0x4e: {  	_ =	shalt  }
0x4f: {  	_ =	shalt  }
0x50: {  	_ =	shalt  }
0x51: {  	_ =	shalt  }
0x52: {  	_ =	shalt  }
0x53: {  	_ =	shalt  }
0x54: {  	_ =	shalt  }
0x55: {  	_ =	shalt  }
0x56: {  	_ =	shalt  }
0x57: {  	_ =	shalt  }
0x58: {  	_ =	shalt  }
0x59: {  	_ =	shalt  }
0x5a: {  	_ =	shalt  }
0x5b: {  	_ =	shalt  }
0x5c: {  	_ =	shalt  }
0x5d: {  	_ =	shalt  }
0x5e: {  	_ =	shalt  }
0x5f: {  	_ =	shalt  }
0x60: {  	_ =	shalt  }
0x61: {  	_ =	shalt  }
0x62: {  	_ =	shalt  }
0x63: {  	_ =	shalt  }
0x64: {  	_ =	shalt  }
0x65: {  	_ =	shalt  }
0x66: {  	_ =	shalt  }
0x67: {  	_ =	shalt  }
0x68: {  	_ =	shalt  }
0x69: {  	_ =	shalt  }
0x6a: {  	_ =	shalt  }
0x6b: {  	_ =	shalt  }
0x6c: {  	_ =	shalt  }
0x6d: {  	_ =	shalt  }
0x6e: {  	_ =	shalt  }
0x6f: {  	_ =	shalt  }
0x70: {  	_ =	shalt  }
0x71: {  	_ =	shalt  }
0x72: {  	_ =	shalt  }
0x73: {  	_ =	shalt  }
0x74: {  	_ =	shalt  }
0x75: {  	_ =	shalt  }
0x76: {  	_ =	shalt  }
0x77: {  	_ =	shalt  }
0x78: {  	_ =	shalt  }
0x79: {  	_ =	shalt  }
0x7a: {  	_ =	shalt  }
0x7b: {  	_ =	shalt  }
0x7c: {  	_ =	shalt  }
0x7d: {  	_ =	shalt  }
0x7e: {  	_ =	shalt  }
0x7f: {  	_ =	shalt  }
0x80: {  	_ =	shalt  }
0x81: {  	_ =	shalt  }
0x82: {  	_ =	shalt  }
0x83: {  	_ =	shalt  }
0x84: {  	_ =	shalt  }
0x85: {  	_ =	shalt  }
0x86: {  	_ =	shalt  }
0x87: {  	_ =	shalt  }
.Lfunc_end0:
.L_simem_size_0:
called_computation_lowered:
.L_overlay_start_0:
0x88: {  	s2 =	sld [smem:$0x3FD9]  }
0x89: {  	s3 =	sld [smem:$0x3FFE];
	_ =	sdelay $0x1  }
0x8a: {  	s1 =	srdreg.scid  }
0x8b: {  	s0 =	sand.u32 $0x1, s1  }
0x8c: {  	s17 =	sshll.u32 s0, $0xA;
	s2 =	sadd.s32 s3, s2  }
0x8d: {  	s2 =	sadd.s32 s2, s17  }
0x8e: {  	[smem:$0x3FC0] =	sst s2  }
0x8f: {  	_ = 	snop  }
0x90: {  	s2 =	sld [smem:$0x3FC6]  }
0x91: {  	s18 =	sld [smem:$0x3FC4];
	(tm) =	ssettm $0x1  }
0x92: {  	s4 =	sld [smem:$0x3FFB];
	_ =	sdelay $0x3  }
0x93: {  	_ =	strace s4  }
0x94: {  	s4 =	sld [smem:$0x3FFC];
	_ =	sdelay $0x3  }
0x95: {  	_ =	strace s4  }
0x96: {  	s4 =	sld [smem:$0x3FFD];
	_ =	sdelay $0x3  }
0x97: {  	_ =	strace s4  }
0x98: {  	_ =	strace $0x8FFFFFFF  }
0x99: {  	s19 =	sld [smem:$0x3FDB];
	_ =	sdelay $0x1  }
0x9a: {  	s5 =	simm.s32 $_scs_section_size  }
0x9b: {  	s6 =	simm.s32 $_size__tile_overlayer_lowered;
	s7 =	simm.s32 $_tile_overlayer_lowered  }
0x9c: {  	s22 =	simm.s32 $0x1BFF;
	s21 =	sshll.u32 s7, $0x1;
	s4 =	sadd.s32 s5, s19  }
0x9d: {  	s8 =	simm.s32 $0x0;
	s20 =	sshll.u32 s6, $0x1;
	s6 =	sadd.s32 s21, s4  }
0x9e: {  	[timem:s8], [sflag:s22] =	dma.local [hbm:s6], s20  }
0x9f: {  	_ =	swait.ge [sflag:s22], s20  }
0xa0: {  	s5 =	ssub.s32 $0x0, s20;
	[sflag:s22] =	ssyncset.done $0x0  }
0xa1: {  	[sflag:s22] =	ssyncadd.s32 s5;
	_ =	sdelay $0x1  }
0xa2: {  	s23 =	simm.s32 $0x1B8B  }
0xa3: {  	_ =	swait.ge [sflag:s23], $0x1  }
0xa4: {  	[sflag:s23] =	ssyncset.done $0x0  }
0xa5: {  	s25 =	simm.s32 $0x1B8E;
	s24 =	sld [smem:$0x3FFE];
	[sflag:s23] =	ssyncadd.s32 $0xFFFFFFFF  }
0xa6: {  	s26 =	simm.s32 $execute0_lowered;
	[smem:$0x3FD2] =	sst s25  }
0xa7: {  	s6 =	sshll.u32 s26, $0x1;
	_ =	strace $0x80000046;
	[dreg:$0x1] =	wrdreg $0xFFFFFFFF  }
0xa8: {  	s28 =	simm.s32 $_size_execute0_lowered;
	s4 =	sadd.s32 s4, s6;
	[dreg:$0x0] =	wrdreg $0x0  }
0xa9: {  	s6 =	sshll.u32 s28, $0x1;
	[dreg:$0x2] =	wrdreg s4  }
0xaa: {  	[dreg:$0x3] =	wrdreg s6  }
0xab: {  	[dreg:$0x4] =	wrdreg $0xC0  }
0xac: {  	_ =	task [dreg:s8], $0x5FFFF  }
0xad: {  	[dreg:$0x1] =	wrdreg $0xFFFFFFFF  }
0xae: {  	[dreg:$0x0] =	wrdreg $0x60  }
0xaf: {  	[dreg:$0x2] =	wrdreg s2  }
0xb0: {  	[dreg:$0x3] =	wrdreg s18  }
0xb1: {  	[dreg:$0x4] =	wrdreg s24  }
0xb2: {  	[dreg:$0x5] =	wrdreg $0x9  }
0xb3: {  	_ =	task.clear_ibuf [dreg:s8], $0x6FFFF;
	_ =	strace $0x90000046  }
0xb4: {  	s29 =	simm.s32 $0x9;
	_ =	strace $0x80000048  }
0xb5: {  	_ =	swait.ge [sflag:s29], $0x1  }
0xb6: {  	[sflag:s29] =	ssyncadd.s32 $0xFFFFFFFF  }
0xb7: {  	_ =	strace $0x90000048  }
0xb8: {  	_ =	sfence  }
0xb9: {  	s30 =	sld [smem:$0x0];
	_ =	sdelay $0x2  }
0xba: {  	s31 =	sshll.u32 s1, $0xD;
	s1 =	sshrl.u32 s1, $0x2  }
0xbb: {  	s3 =	sand.u32 $0x4000, s31;
	s1 =	sadd.s32 s1, s30  }
0xbc: {  	s0 =	sor.u32 s3, s0;
	s1 =	sshll.u32 s1, $0x11  }
0xbd: {  	s0 =	sor.u32 s1, s0  }
0xbe: {  	s0 =	sadd.s32 $0x8F2B, s0  }
0xbf: {  	[sflag:s0] =	ssyncadd.remote.s32 $0x1  }
0xc0: {  	_ =	sfence.sel $0xFFFF  }
0xc1: {  	[dreg:$0x0] =	wrdreg $0xFFFFFFFF;
	(pc) =	sbr.abs _section_cstart, $3  }
0xc2: {  	[dreg:$0x1] =	wrdreg $0xFFFFFFFF  }
0xc3: {  	_ =	task.clear_ibuf [dreg:s8], $0x2FFFF;
	_ =	strace $0x9FFFFFFF  }
0xc4: {  	(tm) =	ssettm $0x7FFFFFFF  }
0xc5: {  	_ =	shalt  }
tec
execute0_lowered:
.L_overlay_start_1:
0x0: {  	(tag) =	ssettag $0x1  }
0x1: {  	s0 =	rddreg [dreg:$0x0]  }
0x2: {  	s1 =	srdreg.scid;
	s2 =	rddreg [dreg:$0x1]  }
0x3: {  	s3 =	stileid.u32;
	s4 =	rddreg [dreg:$0x2]  }
0x4: {  	s14 =	simm.s32 $0x1;
	s15 =	simm.s32 $0x4;
	s16 =	simm.s32 $0x2  }
0x5: {  	s17 =	simm.s32 $0x5;
	s29 =	simm.s32 $0x3;
	s30 =	simm.s32 $0x4200  }
0x6: {  	s31 =	simm.s32 $0x4A00;
	s7 =	simm.s32 $0x10200;
	s11 =	simm.s32 $0x10A00  }
0x7: {  	s12 =	simm.s32 $0x11200;
	s13 =	simm.s32 $0x11A00;
	s1 =	sand.u32 $0x1, s1  }
0x8: {  	s8 =	simm.s32 $0x13A00;
	s5 =	sshll.u32 s3, $0xA;
	s6 =	sshll.u32 s1, $0x9  }
0x9: {  	s9 =	simm.s32 $0x14200;
	s10 =	simm.s32 $0x14A00;
	s5 =	sor.u32 s6, s5  }
0xa: {  	s3 =	simm.s32 $0x0;
	s6 =	sshll.u32 s5, $0x6;
	s5 =	sshrl.u32 s5, $0x3  }
0xb: {  	[smem:$0x7FF] =	sst s3;
	s6 =	sadd.s32 s6, s4;
	s0 =	sadd.s32 s0, s5  }
0xc: {  	_ =	strace $0x80000047;
	[dreg:$0x4] =	wrdreg s0;
	s18 =	sadd.s32 $0x1800, s6  }
0xd: {  	s28 =	simm.s32 $0x17A00;
	s19 =	sadd.s32 $0x2800, s6;
	[dreg:$0x5] =	wrdreg s18  }
0xe: {  	s1 =	ssub.s32 $0x2, s1;
	s20 =	sadd.s32 $0x3800, s6;
	[dreg:$0x6] =	wrdreg s19  }
0xf: {  	s23 =	sshrl.u32 s1, $0x1;
	s21 =	sadd.s32 $0x4800, s6;
	[dreg:$0x7] =	wrdreg s20  }
0x10: {  	s1 =	ssub.s32 s1, s23;
	s22 =	sadd.s32 $0x5800, s6;
	[dreg:$0x8] =	wrdreg s21  }
0x11: {  	s23 =	simm.s32 $0x200;
	s24 =	sadd.s32 $0x6800, s6;
	[dreg:$0x9] =	wrdreg s22  }
0x12: {  	s4 =	sadd.s32 $0x100, s2;
	s25 =	sadd.s32 $0x7800, s6;
	[dreg:$0xa] =	wrdreg s24  }
0x13: {  	s5 =	smax.u32 s1, $0x1;
	s26 =	sadd.s32 $0x8800, s6;
	[dreg:$0xb] =	wrdreg s25  }
0x14: {  	v2 =	vlaneseq.u32;
	s6 =	simm.s32 $0x12A00;
	[dreg:$0xc] =	wrdreg s26;
	s19 =	simm.s32 $0x6  }
0x15: {  	vm0 =	vmmov $0xffff;
	v1 =	vshrl.u32 v2, $0x3;
	s18 =	simm.s32 $0x13200;
	s21 =	simm.s32 $0x15200;
	s22 =	simm.s32 $0x15A00  }
0x16: {  	v0 =	vand.u32 $0x7, v2;
	v2 =	vor.u32 $0x8, v2;
	v1 =	vmul.u32 $0x8, v1;
	s24 =	simm.s32 $0x16200;
	s25 =	simm.s32 $0x16A00;
	s26 =	simm.s32 $0x17200  }
.LBB2_1:
0x17: {  	s20 =	rddreg [dreg:$0x4];
	s1 =	simm.s32 $0x7  }
0x18: {  	[tilespmem:s3], [sflag:$0x7] =	stream.linear.gather [hbm4b:s20+s3], $0x200, $0x38;
	[tilespmem:$0x18200] =	vst v63  }
0x19: {  	_ =	swait.ge [sflag:s1], $0x200  }
0x1a: {  	[sflag:s1] =	ssyncset.done $0x0  }
0x1b: {  	[sflag:s1] =	ssyncadd.s32 $0xFFFFFE00  }
0x1c: {  	v3 =	vld [tilespmem:$0x0];
	_ =	sdelay $0x4  }
0x1d: {  	v4 =	vshll.u32 v3, $0x2  }
0x1e: {  	v3 =	vand.u32 $0x7, v3;
	v4 =	vand.u32 $0xFFFFFFE0, v4  }
0x1f: {  	v3 =	vor.u32 v3, v4  }
0x20: {  	v4 =	vperm.xlane v3, v0;
	_ =	sdelay $0x1  }
0x21: {  	v4 =	vadd.s32 v1, v4;
	_ =	sdelay $0x1  }
0x22: {  	v3 =	vperm.xlane v3, v2;
	_ =	sdelay $0x1  }
0x23: {  	v3 =	vadd.s32 v1, v3  }
0x24: {  	[tilespmem:s23], [sflag:$0x1] =	stream.indirect_vreg.gather [hbm4b:s2+s3], $0x80, v4, vm0, $0xb8;
	[tilespmem:$0x18200] =	vst v63  }
0x25: {  	s0 =	simm.s32 $0xA00  }
0x26: {  	[tilespmem:s0], [sflag:$0x1] =	stream.indirect_vreg.gather [hbm4b:s4+s3], $0x80, v4, vm0, $0xb8;
	[tilespmem:$0x18200] =	vst v63  }
0x27: {  	s20 =	simm.s32 $0x1200  }
0x28: {  	[tilespmem:s20], [sflag:$0x1] =	stream.indirect_vreg.gather [hbm4b:s2+s3], $0x80, v3, vm0, $0xb8;
	[tilespmem:$0x18200] =	vst v63  }
0x29: {  	s1 =	simm.s32 $0x1A00  }
0x2a: {  	[tilespmem:s1], [sflag:$0x1] =	stream.indirect_vreg.gather [hbm4b:s4+s3], $0x80, v3, vm0, $0xb8;
	[tilespmem:$0x18200] =	vst v63  }
0x2b: {  	v3 =	vld [tilespmem:$0x10];
	_ =	sdelay $0x4  }
0x2c: {  	v33 =	vshll.u32 v3, $0x2  }
0x2d: {  	v3 =	vand.u32 $0x7, v3;
	v4 =	vand.u32 $0xFFFFFFE0, v33  }
0x2e: {  	v3 =	vor.u32 v3, v4  }
0x2f: {  	v4 =	vperm.xlane v3, v0;
	_ =	sdelay $0x1  }
0x30: {  	v4 =	vadd.s32 v1, v4;
	_ =	sdelay $0x1  }
0x31: {  	v3 =	vperm.xlane v3, v2;
	_ =	sdelay $0x1  }
0x32: {  	s20 =	simm.s32 $0x2200;
	v3 =	vadd.s32 v1, v3  }
0x33: {  	[tilespmem:s20], [sflag:$0x1] =	stream.indirect_vreg.gather [hbm4b:s2+s3], $0x80, v4, vm0, $0xb8;
	[tilespmem:$0x18200] =	vst v63  }
0x34: {  	s1 =	simm.s32 $0x2A00  }
0x35: {  	[tilespmem:s1], [sflag:$0x1] =	stream.indirect_vreg.gather [hbm4b:s4+s3], $0x80, v4, vm0, $0xb8;
	[tilespmem:$0x18200] =	vst v63  }
0x36: {  	s20 =	simm.s32 $0x3200  }
0x37: {  	[tilespmem:s20], [sflag:$0x1] =	stream.indirect_vreg.gather [hbm4b:s2+s3], $0x80, v3, vm0, $0xb8;
	[tilespmem:$0x18200] =	vst v63  }
0x38: {  	s1 =	simm.s32 $0x3A00  }
0x39: {  	[tilespmem:s1], [sflag:$0x1] =	stream.indirect_vreg.gather [hbm4b:s4+s3], $0x80, v3, vm0, $0xb8;
	[tilespmem:$0x18200] =	vst v63  }
0x3a: {  	v3 =	vld [tilespmem:$0x20];
	_ =	sdelay $0x4  }
0x3b: {  	v34 =	vshll.u32 v3, $0x2  }
0x3c: {  	v3 =	vand.u32 $0x7, v3;
	v4 =	vand.u32 $0xFFFFFFE0, v34  }
0x3d: {  	v3 =	vor.u32 v3, v4  }
0x3e: {  	v4 =	vperm.xlane v3, v0;
	_ =	sdelay $0x1  }
0x3f: {  	v4 =	vadd.s32 v1, v4;
	_ =	sdelay $0x1  }
0x40: {  	v3 =	vperm.xlane v3, v2;
	_ =	sdelay $0x1  }
0x41: {  	v3 =	vadd.s32 v1, v3  }
0x42: {  	[tilespmem:s30], [sflag:$0x1] =	stream.indirect_vreg.gather [hbm4b:s2+s3], $0x80, v4, vm0, $0xb8;
	[tilespmem:$0x18200] =	vst v63  }
0x43: {  	_ = 	snop  }
0x44: {  	[tilespmem:s31], [sflag:$0x1] =	stream.indirect_vreg.gather [hbm4b:s4+s3], $0x80, v4, vm0, $0xb8;
	[tilespmem:$0x18200] =	vst v63  }
0x45: {  	s20 =	simm.s32 $0x5200  }
0x46: {  	[tilespmem:s20], [sflag:$0x1] =	stream.indirect_vreg.gather [hbm4b:s2+s3], $0x80, v3, vm0, $0xb8;
	[tilespmem:$0x18200] =	vst v63  }
0x47: {  	s1 =	simm.s32 $0x5A00  }
0x48: {  	[tilespmem:s1], [sflag:$0x1] =	stream.indirect_vreg.gather [hbm4b:s4+s3], $0x80, v3, vm0, $0xb8;
	[tilespmem:$0x18200] =	vst v63  }
0x49: {  	v3 =	vld [tilespmem:$0x30];
	_ =	sdelay $0x4  }
0x4a: {  	v35 =	vshll.u32 v3, $0x2  }
0x4b: {  	v3 =	vand.u32 $0x7, v3;
	v4 =	vand.u32 $0xFFFFFFE0, v35  }
0x4c: {  	v3 =	vor.u32 v3, v4  }
0x4d: {  	v4 =	vperm.xlane v3, v0;
	_ =	sdelay $0x1  }
0x4e: {  	v4 =	vadd.s32 v1, v4;
	_ =	sdelay $0x1  }
0x4f: {  	v3 =	vperm.xlane v3, v2;
	_ =	sdelay $0x1  }
0x50: {  	s20 =	simm.s32 $0x6200;
	v3 =	vadd.s32 v1, v3  }
0x51: {  	[tilespmem:s20], [sflag:$0x1] =	stream.indirect_vreg.gather [hbm4b:s2+s3], $0x80, v4, vm0, $0xb8;
	[tilespmem:$0x18200] =	vst v63  }
0x52: {  	s1 =	simm.s32 $0x6A00  }
0x53: {  	[tilespmem:s1], [sflag:$0x1] =	stream.indirect_vreg.gather [hbm4b:s4+s3], $0x80, v4, vm0, $0xb8;
	[tilespmem:$0x18200] =	vst v63  }
0x54: {  	s20 =	simm.s32 $0x7200  }
0x55: {  	[tilespmem:s20], [sflag:$0x1] =	stream.indirect_vreg.gather [hbm4b:s2+s3], $0x80, v3, vm0, $0xb8;
	[tilespmem:$0x18200] =	vst v63  }
0x56: {  	s1 =	simm.s32 $0x7A00  }
0x57: {  	[tilespmem:s1], [sflag:$0x1] =	stream.indirect_vreg.gather [hbm4b:s4+s3], $0x80, v3, vm0, $0xb8;
	[tilespmem:$0x18200] =	vst v63  }
0x58: {  	v3 =	vld [tilespmem:$0x40];
	_ =	sdelay $0x4  }
0x59: {  	v36 =	vshll.u32 v3, $0x2  }
0x5a: {  	v3 =	vand.u32 $0x7, v3;
	v4 =	vand.u32 $0xFFFFFFE0, v36  }
0x5b: {  	v3 =	vor.u32 v3, v4  }
0x5c: {  	v4 =	vperm.xlane v3, v0;
	_ =	sdelay $0x1  }
0x5d: {  	v4 =	vadd.s32 v1, v4;
	_ =	sdelay $0x1  }
0x5e: {  	v3 =	vperm.xlane v3, v2;
	_ =	sdelay $0x1  }
0x5f: {  	s0 =	simm.s32 $0x8200;
	v3 =	vadd.s32 v1, v3  }
0x60: {  	[tilespmem:s0], [sflag:$0x2] =	stream.indirect_vreg.gather [hbm4b:s2+s3], $0x80, v4, vm0, $0xb8;
	[tilespmem:$0x18200] =	vst v63  }
0x61: {  	s1 =	simm.s32 $0x8A00  }
0x62: {  	[tilespmem:s1], [sflag:$0x2] =	stream.indirect_vreg.gather [hbm4b:s4+s3], $0x80, v4, vm0, $0xb8;
	[tilespmem:$0x18200] =	vst v63  }
0x63: {  	s20 =	simm.s32 $0x9200  }
0x64: {  	[tilespmem:s20], [sflag:$0x2] =	stream.indirect_vreg.gather [hbm4b:s2+s3], $0x80, v3, vm0, $0xb8;
	[tilespmem:$0x18200] =	vst v63  }
0x65: {  	s20 =	simm.s32 $0x9A00  }
0x66: {  	[tilespmem:s20], [sflag:$0x2] =	stream.indirect_vreg.gather [hbm4b:s4+s3], $0x80, v3, vm0, $0xb8;
	[tilespmem:$0x18200] =	vst v63  }
0x67: {  	v3 =	vld [tilespmem:$0x50];
	_ =	sdelay $0x4  }
0x68: {  	v37 =	vshll.u32 v3, $0x2  }
0x69: {  	v3 =	vand.u32 $0x7, v3;
	v4 =	vand.u32 $0xFFFFFFE0, v37  }
0x6a: {  	v3 =	vor.u32 v3, v4  }
0x6b: {  	v4 =	vperm.xlane v3, v0;
	_ =	sdelay $0x1  }
0x6c: {  	v4 =	vadd.s32 v1, v4;
	_ =	sdelay $0x1  }
0x6d: {  	v3 =	vperm.xlane v3, v2;
	_ =	sdelay $0x1  }
0x6e: {  	s20 =	simm.s32 $0xA200;
	v3 =	vadd.s32 v1, v3  }
0x6f: {  	[tilespmem:s20], [sflag:$0x2] =	stream.indirect_vreg.gather [hbm4b:s2+s3], $0x80, v4, vm0, $0xb8;
	[tilespmem:$0x18200] =	vst v63  }
0x70: {  	s20 =	simm.s32 $0xAA00  }
0x71: {  	[tilespmem:s20], [sflag:$0x2] =	stream.indirect_vreg.gather [hbm4b:s4+s3], $0x80, v4, vm0, $0xb8;
	[tilespmem:$0x18200] =	vst v63  }
0x72: {  	s20 =	simm.s32 $0xB200  }
0x73: {  	[tilespmem:s20], [sflag:$0x2] =	stream.indirect_vreg.gather [hbm4b:s2+s3], $0x80, v3, vm0, $0xb8;
	[tilespmem:$0x18200] =	vst v63  }
0x74: {  	s20 =	simm.s32 $0xBA00  }
0x75: {  	[tilespmem:s20], [sflag:$0x2] =	stream.indirect_vreg.gather [hbm4b:s4+s3], $0x80, v3, vm0, $0xb8;
	[tilespmem:$0x18200] =	vst v63  }
0x76: {  	v3 =	vld [tilespmem:$0x60];
	_ =	sdelay $0x4  }
0x77: {  	v38 =	vshll.u32 v3, $0x2  }
0x78: {  	v3 =	vand.u32 $0x7, v3;
	v4 =	vand.u32 $0xFFFFFFE0, v38  }
0x79: {  	v3 =	vor.u32 v3, v4  }
0x7a: {  	v4 =	vperm.xlane v3, v0;
	_ =	sdelay $0x1  }
0x7b: {  	v4 =	vadd.s32 v1, v4;
	_ =	sdelay $0x1  }
0x7c: {  	v3 =	vperm.xlane v3, v2;
	_ =	sdelay $0x1  }
0x7d: {  	s20 =	simm.s32 $0xC200;
	v3 =	vadd.s32 v1, v3  }
0x7e: {  	[tilespmem:s20], [sflag:$0x2] =	stream.indirect_vreg.gather [hbm4b:s2+s3], $0x80, v4, vm0, $0xb8;
	[tilespmem:$0x18200] =	vst v63  }
0x7f: {  	s20 =	simm.s32 $0xCA00  }
0x80: {  	[tilespmem:s20], [sflag:$0x2] =	stream.indirect_vreg.gather [hbm4b:s4+s3], $0x80, v4, vm0, $0xb8;
	[tilespmem:$0x18200] =	vst v63  }
0x81: {  	s20 =	simm.s32 $0xD200  }
0x82: {  	[tilespmem:s20], [sflag:$0x2] =	stream.indirect_vreg.gather [hbm4b:s2+s3], $0x80, v3, vm0, $0xb8;
	[tilespmem:$0x18200] =	vst v63  }
0x83: {  	s20 =	simm.s32 $0xDA00  }
0x84: {  	[tilespmem:s20], [sflag:$0x2] =	stream.indirect_vreg.gather [hbm4b:s4+s3], $0x80, v3, vm0, $0xb8;
	[tilespmem:$0x18200] =	vst v63  }
0x85: {  	v3 =	vld [tilespmem:$0x70];
	_ =	sdelay $0x4  }
0x86: {  	v39 =	vshll.u32 v3, $0x2  }
0x87: {  	v3 =	vand.u32 $0x7, v3;
	v4 =	vand.u32 $0xFFFFFFE0, v39  }
0x88: {  	v3 =	vor.u32 v3, v4  }
0x89: {  	v4 =	vperm.xlane v3, v0;
	_ =	sdelay $0x1  }
0x8a: {  	v4 =	vadd.s32 v1, v4;
	_ =	sdelay $0x1  }
0x8b: {  	v3 =	vperm.xlane v3, v2;
	_ =	sdelay $0x1  }
0x8c: {  	s20 =	simm.s32 $0xE200;
	v3 =	vadd.s32 v1, v3  }
0x8d: {  	[tilespmem:s20], [sflag:$0x2] =	stream.indirect_vreg.gather [hbm4b:s2+s3], $0x80, v4, vm0, $0xb8;
	[tilespmem:$0x18200] =	vst v63  }
0x8e: {  	s20 =	simm.s32 $0xEA00  }
0x8f: {  	[tilespmem:s20], [sflag:$0x2] =	stream.indirect_vreg.gather [hbm4b:s4+s3], $0x80, v4, vm0, $0xb8;
	[tilespmem:$0x18200] =	vst v63  }
0x90: {  	s20 =	simm.s32 $0xF200  }
0x91: {  	[tilespmem:s20], [sflag:$0x2] =	stream.indirect_vreg.gather [hbm4b:s2+s3], $0x80, v3, vm0, $0xb8;
	[tilespmem:$0x18200] =	vst v63  }
0x92: {  	s20 =	simm.s32 $0xFA00  }
0x93: {  	[tilespmem:s20], [sflag:$0x2] =	stream.indirect_vreg.gather [hbm4b:s4+s3], $0x80, v3, vm0, $0xb8;
	[tilespmem:$0x18200] =	vst v63  }
0x94: {  	v3 =	vld [tilespmem:$0x80];
	_ =	sdelay $0x4  }
0x95: {  	v40 =	vshll.u32 v3, $0x2  }
0x96: {  	v3 =	vand.u32 $0x7, v3;
	v4 =	vand.u32 $0xFFFFFFE0, v40  }
0x97: {  	v3 =	vor.u32 v3, v4  }
0x98: {  	v4 =	vperm.xlane v3, v0;
	_ =	sdelay $0x1  }
0x99: {  	v4 =	vadd.s32 v1, v4;
	_ =	sdelay $0x1  }
0x9a: {  	v3 =	vperm.xlane v3, v2;
	_ =	sdelay $0x1  }
0x9b: {  	v3 =	vadd.s32 v1, v3  }
0x9c: {  	[tilespmem:s7], [sflag:$0x3] =	stream.indirect_vreg.gather [hbm4b:s2+s3], $0x80, v4, vm0, $0xb8;
	[tilespmem:$0x18200] =	vst v63  }
0x9d: {  	_ = 	snop  }
0x9e: {  	[tilespmem:s11], [sflag:$0x3] =	stream.indirect_vreg.gather [hbm4b:s4+s3], $0x80, v4, vm0, $0xb8;
	[tilespmem:$0x18200] =	vst v63  }
0x9f: {  	_ = 	snop  }
0xa0: {  	[tilespmem:s12], [sflag:$0x3] =	stream.indirect_vreg.gather [hbm4b:s2+s3], $0x80, v3, vm0, $0xb8;
	[tilespmem:$0x18200] =	vst v63  }
0xa1: {  	_ = 	snop  }
0xa2: {  	[tilespmem:s13], [sflag:$0x3] =	stream.indirect_vreg.gather [hbm4b:s4+s3], $0x80, v3, vm0, $0xb8;
	[tilespmem:$0x18200] =	vst v63  }
0xa3: {  	v3 =	vld [tilespmem:$0x90];
	_ =	sdelay $0x4  }
0xa4: {  	v41 =	vshll.u32 v3, $0x2  }
0xa5: {  	v3 =	vand.u32 $0x7, v3;
	v4 =	vand.u32 $0xFFFFFFE0, v41  }
0xa6: {  	v3 =	vor.u32 v3, v4  }
0xa7: {  	v4 =	vperm.xlane v3, v0;
	_ =	sdelay $0x1  }
0xa8: {  	v4 =	vadd.s32 v1, v4;
	_ =	sdelay $0x1  }
0xa9: {  	v3 =	vperm.xlane v3, v2;
	_ =	sdelay $0x1  }
0xaa: {  	s1 =	simm.s32 $0x12200;
	v3 =	vadd.s32 v1, v3  }
0xab: {  	[tilespmem:s1], [sflag:$0x3] =	stream.indirect_vreg.gather [hbm4b:s2+s3], $0x80, v4, vm0, $0xb8;
	[tilespmem:$0x18200] =	vst v63  }
0xac: {  	_ = 	snop  }
0xad: {  	[tilespmem:s6], [sflag:$0x3] =	stream.indirect_vreg.gather [hbm4b:s4+s3], $0x80, v4, vm0, $0xb8;
	[tilespmem:$0x18200] =	vst v63  }
0xae: {  	_ = 	snop  }
0xaf: {  	[tilespmem:s18], [sflag:$0x3] =	stream.indirect_vreg.gather [hbm4b:s2+s3], $0x80, v3, vm0, $0xb8;
	[tilespmem:$0x18200] =	vst v63  }
0xb0: {  	_ = 	snop  }
0xb1: {  	[tilespmem:s8], [sflag:$0x3] =	stream.indirect_vreg.gather [hbm4b:s4+s3], $0x80, v3, vm0, $0xb8;
	[tilespmem:$0x18200] =	vst v63  }
0xb2: {  	v3 =	vld [tilespmem:$0xA0];
	_ =	sdelay $0x4  }
0xb3: {  	v42 =	vshll.u32 v3, $0x2  }
0xb4: {  	v3 =	vand.u32 $0x7, v3;
	v4 =	vand.u32 $0xFFFFFFE0, v42  }
0xb5: {  	v3 =	vor.u32 v3, v4  }
0xb6: {  	v4 =	vperm.xlane v3, v0;
	_ =	sdelay $0x1  }
0xb7: {  	v4 =	vadd.s32 v1, v4;
	_ =	sdelay $0x1  }
0xb8: {  	v3 =	vperm.xlane v3, v2;
	_ =	sdelay $0x1  }
0xb9: {  	v3 =	vadd.s32 v1, v3  }
0xba: {  	[tilespmem:s9], [sflag:$0x3] =	stream.indirect_vreg.gather [hbm4b:s2+s3], $0x80, v4, vm0, $0xb8;
	[tilespmem:$0x18200] =	vst v63  }
0xbb: {  	_ = 	snop  }
0xbc: {  	[tilespmem:s10], [sflag:$0x3] =	stream.indirect_vreg.gather [hbm4b:s4+s3], $0x80, v4, vm0, $0xb8;
	[tilespmem:$0x18200] =	vst v63  }
0xbd: {  	_ = 	snop  }
0xbe: {  	[tilespmem:s21], [sflag:$0x3] =	stream.indirect_vreg.gather [hbm4b:s2+s3], $0x80, v3, vm0, $0xb8;
	[tilespmem:$0x18200] =	vst v63  }
0xbf: {  	_ = 	snop  }
0xc0: {  	[tilespmem:s22], [sflag:$0x3] =	stream.indirect_vreg.gather [hbm4b:s4+s3], $0x80, v3, vm0, $0xb8;
	[tilespmem:$0x18200] =	vst v63  }
0xc1: {  	v3 =	vld [tilespmem:$0xB0];
	_ =	sdelay $0x4  }
0xc2: {  	v43 =	vshll.u32 v3, $0x2  }
0xc3: {  	v3 =	vand.u32 $0x7, v3;
	v4 =	vand.u32 $0xFFFFFFE0, v43  }
0xc4: {  	v3 =	vor.u32 v3, v4  }
0xc5: {  	v4 =	vperm.xlane v3, v0;
	_ =	sdelay $0x1  }
0xc6: {  	v4 =	vadd.s32 v1, v4;
	_ =	sdelay $0x1  }
0xc7: {  	v3 =	vperm.xlane v3, v2;
	_ =	sdelay $0x1  }
0xc8: {  	v3 =	vadd.s32 v1, v3  }
0xc9: {  	[tilespmem:s24], [sflag:$0x3] =	stream.indirect_vreg.gather [hbm4b:s2+s3], $0x80, v4, vm0, $0xb8;
	[tilespmem:$0x18200] =	vst v63  }
0xca: {  	_ = 	snop  }
0xcb: {  	[tilespmem:s25], [sflag:$0x3] =	stream.indirect_vreg.gather [hbm4b:s4+s3], $0x80, v4, vm0, $0xb8;
	[tilespmem:$0x18200] =	vst v63  }
0xcc: {  	_ = 	snop  }
0xcd: {  	[tilespmem:s26], [sflag:$0x3] =	stream.indirect_vreg.gather [hbm4b:s2+s3], $0x80, v3, vm0, $0xb8;
	[tilespmem:$0x18200] =	vst v63  }
0xce: {  	_ = 	snop  }
0xcf: {  	[tilespmem:s28], [sflag:$0x3] =	stream.indirect_vreg.gather [hbm4b:s4+s3], $0x80, v3, vm0, $0xb8;
	[tilespmem:$0x18200] =	vst v63  }
0xd0: {  	_ =	swait.ge [sflag:s14], $0x8000  }
0xd1: {  	[sflag:s14] =	ssyncset.done $0x0  }
0xd2: {  	s20 =	rddreg [dreg:$0x5];
	[sflag:s14] =	ssyncadd.s32 $0xFFFF8000  }
0xd3: {  	[hbm4b:s20+s3] =	stream.linear.scatter [tilespmem:s23], [sflag:$0x4], $0x8000, $0x38;
	[tilespmem:$0x18200] =	vst v63  }
0xd4: {  	_ =	swait.ge [sflag:s15], $0x8000  }
0xd5: {  	[sflag:s15] =	ssyncset.done $0x0  }
0xd6: {  	[sflag:s15] =	ssyncadd.s32 $0xFFFF8000  }
0xd7: {  	v3 =	vld [tilespmem:$0xC0];
	_ =	sdelay $0x4  }
0xd8: {  	v44 =	vshll.u32 v3, $0x2  }
0xd9: {  	v3 =	vand.u32 $0x7, v3;
	v4 =	vand.u32 $0xFFFFFFE0, v44  }
0xda: {  	v3 =	vor.u32 v3, v4  }
0xdb: {  	v4 =	vperm.xlane v3, v0;
	_ =	sdelay $0x1  }
0xdc: {  	v4 =	vadd.s32 v1, v4;
	_ =	sdelay $0x1  }
0xdd: {  	v3 =	vperm.xlane v3, v2;
	_ =	sdelay $0x1  }
0xde: {  	v3 =	vadd.s32 v1, v3  }
0xdf: {  	[tilespmem:s23], [sflag:$0x1] =	stream.indirect_vreg.gather [hbm4b:s2+s3], $0x80, v4, vm0, $0xb8;
	[tilespmem:$0x18200] =	vst v63  }
0xe0: {  	s20 =	simm.s32 $0xA00  }
0xe1: {  	[tilespmem:s20], [sflag:$0x1] =	stream.indirect_vreg.gather [hbm4b:s4+s3], $0x80, v4, vm0, $0xb8;
	[tilespmem:$0x18200] =	vst v63  }
0xe2: {  	s20 =	simm.s32 $0x1200  }
0xe3: {  	[tilespmem:s20], [sflag:$0x1] =	stream.indirect_vreg.gather [hbm4b:s2+s3], $0x80, v3, vm0, $0xb8;
	[tilespmem:$0x18200] =	vst v63  }
0xe4: {  	s20 =	simm.s32 $0x1A00  }
0xe5: {  	[tilespmem:s20], [sflag:$0x1] =	stream.indirect_vreg.gather [hbm4b:s4+s3], $0x80, v3, vm0, $0xb8;
	[tilespmem:$0x18200] =	vst v63  }
0xe6: {  	v3 =	vld [tilespmem:$0xD0];
	_ =	sdelay $0x4  }
0xe7: {  	v45 =	vshll.u32 v3, $0x2  }
0xe8: {  	v3 =	vand.u32 $0x7, v3;
	v4 =	vand.u32 $0xFFFFFFE0, v45  }
0xe9: {  	v3 =	vor.u32 v3, v4  }
0xea: {  	v4 =	vperm.xlane v3, v0;
	_ =	sdelay $0x1  }
0xeb: {  	v4 =	vadd.s32 v1, v4;
	_ =	sdelay $0x1  }
0xec: {  	v3 =	vperm.xlane v3, v2;
	_ =	sdelay $0x1  }
0xed: {  	s20 =	simm.s32 $0x2200;
	v3 =	vadd.s32 v1, v3  }
0xee: {  	[tilespmem:s20], [sflag:$0x1] =	stream.indirect_vreg.gather [hbm4b:s2+s3], $0x80, v4, vm0, $0xb8;
	[tilespmem:$0x18200] =	vst v63  }
0xef: {  	s20 =	simm.s32 $0x2A00  }
0xf0: {  	[tilespmem:s20], [sflag:$0x1] =	stream.indirect_vreg.gather [hbm4b:s4+s3], $0x80, v4, vm0, $0xb8;
	[tilespmem:$0x18200] =	vst v63  }
0xf1: {  	s20 =	simm.s32 $0x3200  }
0xf2: {  	[tilespmem:s20], [sflag:$0x1] =	stream.indirect_vreg.gather [hbm4b:s2+s3], $0x80, v3, vm0, $0xb8;
	[tilespmem:$0x18200] =	vst v63  }
0xf3: {  	s20 =	simm.s32 $0x3A00  }
0xf4: {  	[tilespmem:s20], [sflag:$0x1] =	stream.indirect_vreg.gather [hbm4b:s4+s3], $0x80, v3, vm0, $0xb8;
	[tilespmem:$0x18200] =	vst v63  }
0xf5: {  	v3 =	vld [tilespmem:$0xE0];
	_ =	sdelay $0x4  }
0xf6: {  	v46 =	vshll.u32 v3, $0x2  }
0xf7: {  	v3 =	vand.u32 $0x7, v3;
	v4 =	vand.u32 $0xFFFFFFE0, v46  }
0xf8: {  	v3 =	vor.u32 v3, v4  }
0xf9: {  	v4 =	vperm.xlane v3, v0;
	_ =	sdelay $0x1  }
0xfa: {  	v4 =	vadd.s32 v1, v4;
	_ =	sdelay $0x1  }
0xfb: {  	v3 =	vperm.xlane v3, v2;
	_ =	sdelay $0x1  }
0xfc: {  	v3 =	vadd.s32 v1, v3  }
0xfd: {  	[tilespmem:s30], [sflag:$0x1] =	stream.indirect_vreg.gather [hbm4b:s2+s3], $0x80, v4, vm0, $0xb8;
	[tilespmem:$0x18200] =	vst v63  }
0xfe: {  	_ = 	snop  }
0xff: {  	[tilespmem:s31], [sflag:$0x1] =	stream.indirect_vreg.gather [hbm4b:s4+s3], $0x80, v4, vm0, $0xb8;
	[tilespmem:$0x18200] =	vst v63  }
0x100: {  	s20 =	simm.s32 $0x5200  }
0x101: {  	[tilespmem:s20], [sflag:$0x1] =	stream.indirect_vreg.gather [hbm4b:s2+s3], $0x80, v3, vm0, $0xb8;
	[tilespmem:$0x18200] =	vst v63  }
0x102: {  	s20 =	simm.s32 $0x5A00  }
0x103: {  	[tilespmem:s20], [sflag:$0x1] =	stream.indirect_vreg.gather [hbm4b:s4+s3], $0x80, v3, vm0, $0xb8;
	[tilespmem:$0x18200] =	vst v63  }
0x104: {  	v3 =	vld [tilespmem:$0xF0];
	_ =	sdelay $0x4  }
0x105: {  	v47 =	vshll.u32 v3, $0x2  }
0x106: {  	v3 =	vand.u32 $0x7, v3;
	v4 =	vand.u32 $0xFFFFFFE0, v47  }
0x107: {  	v3 =	vor.u32 v3, v4  }
0x108: {  	v4 =	vperm.xlane v3, v0;
	_ =	sdelay $0x1  }
0x109: {  	v4 =	vadd.s32 v1, v4;
	_ =	sdelay $0x1  }
0x10a: {  	v3 =	vperm.xlane v3, v2;
	_ =	sdelay $0x1  }
0x10b: {  	s20 =	simm.s32 $0x6200;
	v3 =	vadd.s32 v1, v3  }
0x10c: {  	[tilespmem:s20], [sflag:$0x1] =	stream.indirect_vreg.gather [hbm4b:s2+s3], $0x80, v4, vm0, $0xb8;
	[tilespmem:$0x18200] =	vst v63  }
0x10d: {  	s20 =	simm.s32 $0x6A00  }
0x10e: {  	[tilespmem:s20], [sflag:$0x1] =	stream.indirect_vreg.gather [hbm4b:s4+s3], $0x80, v4, vm0, $0xb8;
	[tilespmem:$0x18200] =	vst v63  }
0x10f: {  	s20 =	simm.s32 $0x7200  }
0x110: {  	[tilespmem:s20], [sflag:$0x1] =	stream.indirect_vreg.gather [hbm4b:s2+s3], $0x80, v3, vm0, $0xb8;
	[tilespmem:$0x18200] =	vst v63  }
0x111: {  	s20 =	simm.s32 $0x7A00  }
0x112: {  	[tilespmem:s20], [sflag:$0x1] =	stream.indirect_vreg.gather [hbm4b:s4+s3], $0x80, v3, vm0, $0xb8;
	[tilespmem:$0x18200] =	vst v63  }
0x113: {  	_ =	swait.ge [sflag:s16], $0x8000  }
0x114: {  	[sflag:s16] =	ssyncset.done $0x0  }
0x115: {  	s20 =	rddreg [dreg:$0x6];
	[sflag:s16] =	ssyncadd.s32 $0xFFFF8000  }
0x116: {  	[hbm4b:s20+s3] =	stream.linear.scatter [tilespmem:s0], [sflag:$0x5], $0x8000, $0x38;
	[tilespmem:$0x18200] =	vst v63  }
0x117: {  	_ =	swait.ge [sflag:s17], $0x8000  }
0x118: {  	[sflag:s17] =	ssyncset.done $0x0  }
0x119: {  	[sflag:s17] =	ssyncadd.s32 $0xFFFF8000  }
0x11a: {  	v3 =	vld [tilespmem:$0x100];
	_ =	sdelay $0x4  }
0x11b: {  	v48 =	vshll.u32 v3, $0x2  }
0x11c: {  	v3 =	vand.u32 $0x7, v3;
	v4 =	vand.u32 $0xFFFFFFE0, v48  }
0x11d: {  	v3 =	vor.u32 v3, v4  }
0x11e: {  	v4 =	vperm.xlane v3, v0;
	_ =	sdelay $0x1  }
0x11f: {  	v4 =	vadd.s32 v1, v4;
	_ =	sdelay $0x1  }
0x120: {  	v3 =	vperm.xlane v3, v2;
	_ =	sdelay $0x1  }
0x121: {  	v3 =	vadd.s32 v1, v3  }
0x122: {  	[tilespmem:s0], [sflag:$0x2] =	stream.indirect_vreg.gather [hbm4b:s2+s3], $0x80, v4, vm0, $0xb8;
	[tilespmem:$0x18200] =	vst v63  }
0x123: {  	s20 =	simm.s32 $0x8A00  }
0x124: {  	[tilespmem:s20], [sflag:$0x2] =	stream.indirect_vreg.gather [hbm4b:s4+s3], $0x80, v4, vm0, $0xb8;
	[tilespmem:$0x18200] =	vst v63  }
0x125: {  	s20 =	simm.s32 $0x9200  }
0x126: {  	[tilespmem:s20], [sflag:$0x2] =	stream.indirect_vreg.gather [hbm4b:s2+s3], $0x80, v3, vm0, $0xb8;
	[tilespmem:$0x18200] =	vst v63  }
0x127: {  	s20 =	simm.s32 $0x9A00  }
0x128: {  	[tilespmem:s20], [sflag:$0x2] =	stream.indirect_vreg.gather [hbm4b:s4+s3], $0x80, v3, vm0, $0xb8;
	[tilespmem:$0x18200] =	vst v63  }
0x129: {  	v3 =	vld [tilespmem:$0x110];
	_ =	sdelay $0x4  }
0x12a: {  	v49 =	vshll.u32 v3, $0x2  }
0x12b: {  	v3 =	vand.u32 $0x7, v3;
	v4 =	vand.u32 $0xFFFFFFE0, v49  }
0x12c: {  	v3 =	vor.u32 v3, v4  }
0x12d: {  	v4 =	vperm.xlane v3, v0;
	_ =	sdelay $0x1  }
0x12e: {  	v4 =	vadd.s32 v1, v4;
	_ =	sdelay $0x1  }
0x12f: {  	v3 =	vperm.xlane v3, v2;
	_ =	sdelay $0x1  }
0x130: {  	s20 =	simm.s32 $0xA200;
	v3 =	vadd.s32 v1, v3  }
0x131: {  	[tilespmem:s20], [sflag:$0x2] =	stream.indirect_vreg.gather [hbm4b:s2+s3], $0x80, v4, vm0, $0xb8;
	[tilespmem:$0x18200] =	vst v63  }
0x132: {  	s20 =	simm.s32 $0xAA00  }
0x133: {  	[tilespmem:s20], [sflag:$0x2] =	stream.indirect_vreg.gather [hbm4b:s4+s3], $0x80, v4, vm0, $0xb8;
	[tilespmem:$0x18200] =	vst v63  }
0x134: {  	s20 =	simm.s32 $0xB200  }
0x135: {  	[tilespmem:s20], [sflag:$0x2] =	stream.indirect_vreg.gather [hbm4b:s2+s3], $0x80, v3, vm0, $0xb8;
	[tilespmem:$0x18200] =	vst v63  }
0x136: {  	s20 =	simm.s32 $0xBA00  }
0x137: {  	[tilespmem:s20], [sflag:$0x2] =	stream.indirect_vreg.gather [hbm4b:s4+s3], $0x80, v3, vm0, $0xb8;
	[tilespmem:$0x18200] =	vst v63  }
0x138: {  	v3 =	vld [tilespmem:$0x120];
	_ =	sdelay $0x4  }
0x139: {  	v50 =	vshll.u32 v3, $0x2  }
0x13a: {  	v3 =	vand.u32 $0x7, v3;
	v4 =	vand.u32 $0xFFFFFFE0, v50  }
0x13b: {  	v3 =	vor.u32 v3, v4  }
0x13c: {  	v4 =	vperm.xlane v3, v0;
	_ =	sdelay $0x1  }
0x13d: {  	v4 =	vadd.s32 v1, v4;
	_ =	sdelay $0x1  }
0x13e: {  	v3 =	vperm.xlane v3, v2;
	_ =	sdelay $0x1  }
0x13f: {  	s20 =	simm.s32 $0xC200;
	v3 =	vadd.s32 v1, v3  }
0x140: {  	[tilespmem:s20], [sflag:$0x2] =	stream.indirect_vreg.gather [hbm4b:s2+s3], $0x80, v4, vm0, $0xb8;
	[tilespmem:$0x18200] =	vst v63  }
0x141: {  	s20 =	simm.s32 $0xCA00  }
0x142: {  	[tilespmem:s20], [sflag:$0x2] =	stream.indirect_vreg.gather [hbm4b:s4+s3], $0x80, v4, vm0, $0xb8;
	[tilespmem:$0x18200] =	vst v63  }
0x143: {  	s20 =	simm.s32 $0xD200  }
0x144: {  	[tilespmem:s20], [sflag:$0x2] =	stream.indirect_vreg.gather [hbm4b:s2+s3], $0x80, v3, vm0, $0xb8;
	[tilespmem:$0x18200] =	vst v63  }
0x145: {  	s20 =	simm.s32 $0xDA00  }
0x146: {  	[tilespmem:s20], [sflag:$0x2] =	stream.indirect_vreg.gather [hbm4b:s4+s3], $0x80, v3, vm0, $0xb8;
	[tilespmem:$0x18200] =	vst v63  }
0x147: {  	v3 =	vld [tilespmem:$0x130];
	_ =	sdelay $0x4  }
0x148: {  	v51 =	vshll.u32 v3, $0x2  }
0x149: {  	v3 =	vand.u32 $0x7, v3;
	v4 =	vand.u32 $0xFFFFFFE0, v51  }
0x14a: {  	v3 =	vor.u32 v3, v4  }
0x14b: {  	v4 =	vperm.xlane v3, v0;
	_ =	sdelay $0x1  }
0x14c: {  	v4 =	vadd.s32 v1, v4;
	_ =	sdelay $0x1  }
0x14d: {  	v3 =	vperm.xlane v3, v2;
	_ =	sdelay $0x1  }
0x14e: {  	s20 =	simm.s32 $0xE200;
	v3 =	vadd.s32 v1, v3  }
0x14f: {  	[tilespmem:s20], [sflag:$0x2] =	stream.indirect_vreg.gather [hbm4b:s2+s3], $0x80, v4, vm0, $0xb8;
	[tilespmem:$0x18200] =	vst v63  }
0x150: {  	s20 =	simm.s32 $0xEA00  }
0x151: {  	[tilespmem:s20], [sflag:$0x2] =	stream.indirect_vreg.gather [hbm4b:s4+s3], $0x80, v4, vm0, $0xb8;
	[tilespmem:$0x18200] =	vst v63  }
0x152: {  	s20 =	simm.s32 $0xF200  }
0x153: {  	[tilespmem:s20], [sflag:$0x2] =	stream.indirect_vreg.gather [hbm4b:s2+s3], $0x80, v3, vm0, $0xb8;
	[tilespmem:$0x18200] =	vst v63  }
0x154: {  	s20 =	simm.s32 $0xFA00  }
0x155: {  	[tilespmem:s20], [sflag:$0x2] =	stream.indirect_vreg.gather [hbm4b:s4+s3], $0x80, v3, vm0, $0xb8;
	[tilespmem:$0x18200] =	vst v63  }
0x156: {  	_ =	swait.ge [sflag:s29], $0x8000  }
0x157: {  	[sflag:s29] =	ssyncset.done $0x0  }
0x158: {  	s20 =	rddreg [dreg:$0x7];
	[sflag:s29] =	ssyncadd.s32 $0xFFFF8000  }
0x159: {  	[hbm4b:s20+s3] =	stream.linear.scatter [tilespmem:s7], [sflag:$0x6], $0x8000, $0x38;
	[tilespmem:$0x18200] =	vst v63  }
0x15a: {  	_ =	swait.ge [sflag:s19], $0x8000  }
0x15b: {  	[sflag:s19] =	ssyncset.done $0x0  }
0x15c: {  	[sflag:s19] =	ssyncadd.s32 $0xFFFF8000  }
0x15d: {  	v3 =	vld [tilespmem:$0x140];
	_ =	sdelay $0x4  }
0x15e: {  	v52 =	vshll.u32 v3, $0x2  }
0x15f: {  	v3 =	vand.u32 $0x7, v3;
	v4 =	vand.u32 $0xFFFFFFE0, v52  }
0x160: {  	v3 =	vor.u32 v3, v4  }
0x161: {  	v4 =	vperm.xlane v3, v0;
	_ =	sdelay $0x1  }
0x162: {  	v4 =	vadd.s32 v1, v4;
	_ =	sdelay $0x1  }
0x163: {  	v3 =	vperm.xlane v3, v2;
	_ =	sdelay $0x1  }
0x164: {  	v3 =	vadd.s32 v1, v3  }
0x165: {  	[tilespmem:s7], [sflag:$0x3] =	stream.indirect_vreg.gather [hbm4b:s2+s3], $0x80, v4, vm0, $0xb8;
	[tilespmem:$0x18200] =	vst v63  }
0x166: {  	_ = 	snop  }
0x167: {  	[tilespmem:s11], [sflag:$0x3] =	stream.indirect_vreg.gather [hbm4b:s4+s3], $0x80, v4, vm0, $0xb8;
	[tilespmem:$0x18200] =	vst v63  }
0x168: {  	_ = 	snop  }
0x169: {  	[tilespmem:s12], [sflag:$0x3] =	stream.indirect_vreg.gather [hbm4b:s2+s3], $0x80, v3, vm0, $0xb8;
	[tilespmem:$0x18200] =	vst v63  }
0x16a: {  	_ = 	snop  }
0x16b: {  	[tilespmem:s13], [sflag:$0x3] =	stream.indirect_vreg.gather [hbm4b:s4+s3], $0x80, v3, vm0, $0xb8;
	[tilespmem:$0x18200] =	vst v63  }
0x16c: {  	v3 =	vld [tilespmem:$0x150];
	_ =	sdelay $0x4  }
0x16d: {  	v53 =	vshll.u32 v3, $0x2  }
0x16e: {  	v3 =	vand.u32 $0x7, v3;
	v4 =	vand.u32 $0xFFFFFFE0, v53  }
0x16f: {  	v3 =	vor.u32 v3, v4  }
0x170: {  	v4 =	vperm.xlane v3, v0;
	_ =	sdelay $0x1  }
0x171: {  	v4 =	vadd.s32 v1, v4;
	_ =	sdelay $0x1  }
0x172: {  	v3 =	vperm.xlane v3, v2;
	_ =	sdelay $0x1  }
0x173: {  	v3 =	vadd.s32 v1, v3  }
0x174: {  	[tilespmem:s1], [sflag:$0x3] =	stream.indirect_vreg.gather [hbm4b:s2+s3], $0x80, v4, vm0, $0xb8;
	[tilespmem:$0x18200] =	vst v63  }
0x175: {  	_ = 	snop  }
0x176: {  	[tilespmem:s6], [sflag:$0x3] =	stream.indirect_vreg.gather [hbm4b:s4+s3], $0x80, v4, vm0, $0xb8;
	[tilespmem:$0x18200] =	vst v63  }
0x177: {  	_ = 	snop  }
0x178: {  	[tilespmem:s18], [sflag:$0x3] =	stream.indirect_vreg.gather [hbm4b:s2+s3], $0x80, v3, vm0, $0xb8;
	[tilespmem:$0x18200] =	vst v63  }
0x179: {  	_ = 	snop  }
0x17a: {  	[tilespmem:s8], [sflag:$0x3] =	stream.indirect_vreg.gather [hbm4b:s4+s3], $0x80, v3, vm0, $0xb8;
	[tilespmem:$0x18200] =	vst v63  }
0x17b: {  	v3 =	vld [tilespmem:$0x160];
	_ =	sdelay $0x4  }
0x17c: {  	v54 =	vshll.u32 v3, $0x2  }
0x17d: {  	v3 =	vand.u32 $0x7, v3;
	v4 =	vand.u32 $0xFFFFFFE0, v54  }
0x17e: {  	v3 =	vor.u32 v3, v4  }
0x17f: {  	v4 =	vperm.xlane v3, v0;
	_ =	sdelay $0x1  }
0x180: {  	v4 =	vadd.s32 v1, v4;
	_ =	sdelay $0x1  }
0x181: {  	v3 =	vperm.xlane v3, v2;
	_ =	sdelay $0x1  }
0x182: {  	v3 =	vadd.s32 v1, v3  }
0x183: {  	[tilespmem:s9], [sflag:$0x3] =	stream.indirect_vreg.gather [hbm4b:s2+s3], $0x80, v4, vm0, $0xb8;
	[tilespmem:$0x18200] =	vst v63  }
0x184: {  	_ = 	snop  }
0x185: {  	[tilespmem:s10], [sflag:$0x3] =	stream.indirect_vreg.gather [hbm4b:s4+s3], $0x80, v4, vm0, $0xb8;
	[tilespmem:$0x18200] =	vst v63  }
0x186: {  	_ = 	snop  }
0x187: {  	[tilespmem:s21], [sflag:$0x3] =	stream.indirect_vreg.gather [hbm4b:s2+s3], $0x80, v3, vm0, $0xb8;
	[tilespmem:$0x18200] =	vst v63  }
0x188: {  	_ = 	snop  }
0x189: {  	[tilespmem:s22], [sflag:$0x3] =	stream.indirect_vreg.gather [hbm4b:s4+s3], $0x80, v3, vm0, $0xb8;
	[tilespmem:$0x18200] =	vst v63  }
0x18a: {  	v3 =	vld [tilespmem:$0x170];
	_ =	sdelay $0x4  }
0x18b: {  	v55 =	vshll.u32 v3, $0x2  }
0x18c: {  	v3 =	vand.u32 $0x7, v3;
	v4 =	vand.u32 $0xFFFFFFE0, v55  }
0x18d: {  	v3 =	vor.u32 v3, v4  }
0x18e: {  	v4 =	vperm.xlane v3, v0;
	_ =	sdelay $0x1  }
0x18f: {  	v4 =	vadd.s32 v1, v4;
	_ =	sdelay $0x1  }
0x190: {  	v3 =	vperm.xlane v3, v2;
	_ =	sdelay $0x1  }
0x191: {  	v3 =	vadd.s32 v1, v3  }
0x192: {  	[tilespmem:s24], [sflag:$0x3] =	stream.indirect_vreg.gather [hbm4b:s2+s3], $0x80, v4, vm0, $0xb8;
	[tilespmem:$0x18200] =	vst v63  }
0x193: {  	_ = 	snop  }
0x194: {  	[tilespmem:s25], [sflag:$0x3] =	stream.indirect_vreg.gather [hbm4b:s4+s3], $0x80, v4, vm0, $0xb8;
	[tilespmem:$0x18200] =	vst v63  }
0x195: {  	_ = 	snop  }
0x196: {  	[tilespmem:s26], [sflag:$0x3] =	stream.indirect_vreg.gather [hbm4b:s2+s3], $0x80, v3, vm0, $0xb8;
	[tilespmem:$0x18200] =	vst v63  }
0x197: {  	_ = 	snop  }
0x198: {  	[tilespmem:s28], [sflag:$0x3] =	stream.indirect_vreg.gather [hbm4b:s4+s3], $0x80, v3, vm0, $0xb8;
	[tilespmem:$0x18200] =	vst v63  }
0x199: {  	_ =	swait.ge [sflag:s14], $0x8000  }
0x19a: {  	[sflag:s14] =	ssyncset.done $0x0  }
0x19b: {  	s1 =	rddreg [dreg:$0x8];
	[sflag:s14] =	ssyncadd.s32 $0xFFFF8000  }
0x19c: {  	[hbm4b:s1+s3] =	stream.linear.scatter [tilespmem:s23], [sflag:$0x4], $0x8000, $0x38;
	[tilespmem:$0x18200] =	vst v63  }
0x19d: {  	_ =	swait.ge [sflag:s15], $0x8000  }
0x19e: {  	[sflag:s15] =	ssyncset.done $0x0  }
0x19f: {  	[sflag:s15] =	ssyncadd.s32 $0xFFFF8000  }
0x1a0: {  	v3 =	vld [tilespmem:$0x180];
	_ =	sdelay $0x4  }
0x1a1: {  	v56 =	vshll.u32 v3, $0x2  }
0x1a2: {  	v3 =	vand.u32 $0x7, v3;
	v4 =	vand.u32 $0xFFFFFFE0, v56  }
0x1a3: {  	v3 =	vor.u32 v3, v4  }
0x1a4: {  	v4 =	vperm.xlane v3, v0;
	_ =	sdelay $0x1  }
0x1a5: {  	v4 =	vadd.s32 v1, v4;
	_ =	sdelay $0x1  }
0x1a6: {  	v3 =	vperm.xlane v3, v2;
	_ =	sdelay $0x1  }
0x1a7: {  	v3 =	vadd.s32 v1, v3  }
0x1a8: {  	[tilespmem:s23], [sflag:$0x1] =	stream.indirect_vreg.gather [hbm4b:s2+s3], $0x80, v4, vm0, $0xb8;
	[tilespmem:$0x18200] =	vst v63  }
0x1a9: {  	s20 =	simm.s32 $0xA00  }
0x1aa: {  	[tilespmem:s20], [sflag:$0x1] =	stream.indirect_vreg.gather [hbm4b:s4+s3], $0x80, v4, vm0, $0xb8;
	[tilespmem:$0x18200] =	vst v63  }
0x1ab: {  	s20 =	simm.s32 $0x1200  }
0x1ac: {  	[tilespmem:s20], [sflag:$0x1] =	stream.indirect_vreg.gather [hbm4b:s2+s3], $0x80, v3, vm0, $0xb8;
	[tilespmem:$0x18200] =	vst v63  }
0x1ad: {  	s20 =	simm.s32 $0x1A00  }
0x1ae: {  	[tilespmem:s20], [sflag:$0x1] =	stream.indirect_vreg.gather [hbm4b:s4+s3], $0x80, v3, vm0, $0xb8;
	[tilespmem:$0x18200] =	vst v63  }
0x1af: {  	v3 =	vld [tilespmem:$0x190];
	_ =	sdelay $0x4  }
0x1b0: {  	v57 =	vshll.u32 v3, $0x2  }
0x1b1: {  	v3 =	vand.u32 $0x7, v3;
	v4 =	vand.u32 $0xFFFFFFE0, v57  }
0x1b2: {  	v3 =	vor.u32 v3, v4  }
0x1b3: {  	v4 =	vperm.xlane v3, v0;
	_ =	sdelay $0x1  }
0x1b4: {  	v4 =	vadd.s32 v1, v4;
	_ =	sdelay $0x1  }
0x1b5: {  	v3 =	vperm.xlane v3, v2;
	_ =	sdelay $0x1  }
0x1b6: {  	s20 =	simm.s32 $0x2200;
	v3 =	vadd.s32 v1, v3  }
0x1b7: {  	[tilespmem:s20], [sflag:$0x1] =	stream.indirect_vreg.gather [hbm4b:s2+s3], $0x80, v4, vm0, $0xb8;
	[tilespmem:$0x18200] =	vst v63  }
0x1b8: {  	s20 =	simm.s32 $0x2A00  }
0x1b9: {  	[tilespmem:s20], [sflag:$0x1] =	stream.indirect_vreg.gather [hbm4b:s4+s3], $0x80, v4, vm0, $0xb8;
	[tilespmem:$0x18200] =	vst v63  }
0x1ba: {  	s20 =	simm.s32 $0x3200  }
0x1bb: {  	[tilespmem:s20], [sflag:$0x1] =	stream.indirect_vreg.gather [hbm4b:s2+s3], $0x80, v3, vm0, $0xb8;
	[tilespmem:$0x18200] =	vst v63  }
0x1bc: {  	s20 =	simm.s32 $0x3A00  }
0x1bd: {  	[tilespmem:s20], [sflag:$0x1] =	stream.indirect_vreg.gather [hbm4b:s4+s3], $0x80, v3, vm0, $0xb8;
	[tilespmem:$0x18200] =	vst v63  }
0x1be: {  	v3 =	vld [tilespmem:$0x1A0];
	_ =	sdelay $0x4  }
0x1bf: {  	v58 =	vshll.u32 v3, $0x2  }
0x1c0: {  	v3 =	vand.u32 $0x7, v3;
	v4 =	vand.u32 $0xFFFFFFE0, v58  }
0x1c1: {  	v3 =	vor.u32 v3, v4  }
0x1c2: {  	v4 =	vperm.xlane v3, v0;
	_ =	sdelay $0x1  }
0x1c3: {  	v4 =	vadd.s32 v1, v4;
	_ =	sdelay $0x1  }
0x1c4: {  	v3 =	vperm.xlane v3, v2;
	_ =	sdelay $0x1  }
0x1c5: {  	v3 =	vadd.s32 v1, v3  }
0x1c6: {  	[tilespmem:s30], [sflag:$0x1] =	stream.indirect_vreg.gather [hbm4b:s2+s3], $0x80, v4, vm0, $0xb8;
	[tilespmem:$0x18200] =	vst v63  }
0x1c7: {  	_ = 	snop  }
0x1c8: {  	[tilespmem:s31], [sflag:$0x1] =	stream.indirect_vreg.gather [hbm4b:s4+s3], $0x80, v4, vm0, $0xb8;
	[tilespmem:$0x18200] =	vst v63  }
0x1c9: {  	s20 =	simm.s32 $0x5200  }
0x1ca: {  	[tilespmem:s20], [sflag:$0x1] =	stream.indirect_vreg.gather [hbm4b:s2+s3], $0x80, v3, vm0, $0xb8;
	[tilespmem:$0x18200] =	vst v63  }
0x1cb: {  	s20 =	simm.s32 $0x5A00  }
0x1cc: {  	[tilespmem:s20], [sflag:$0x1] =	stream.indirect_vreg.gather [hbm4b:s4+s3], $0x80, v3, vm0, $0xb8;
	[tilespmem:$0x18200] =	vst v63  }
0x1cd: {  	v3 =	vld [tilespmem:$0x1B0];
	_ =	sdelay $0x4  }
0x1ce: {  	v59 =	vshll.u32 v3, $0x2  }
0x1cf: {  	v3 =	vand.u32 $0x7, v3;
	v4 =	vand.u32 $0xFFFFFFE0, v59  }
0x1d0: {  	v3 =	vor.u32 v3, v4  }
0x1d1: {  	v4 =	vperm.xlane v3, v0;
	_ =	sdelay $0x1  }
0x1d2: {  	v4 =	vadd.s32 v1, v4;
	_ =	sdelay $0x1  }
0x1d3: {  	v3 =	vperm.xlane v3, v2;
	_ =	sdelay $0x1  }
0x1d4: {  	s20 =	simm.s32 $0x6200;
	v3 =	vadd.s32 v1, v3  }
0x1d5: {  	[tilespmem:s20], [sflag:$0x1] =	stream.indirect_vreg.gather [hbm4b:s2+s3], $0x80, v4, vm0, $0xb8;
	[tilespmem:$0x18200] =	vst v63  }
0x1d6: {  	s20 =	simm.s32 $0x6A00  }
0x1d7: {  	[tilespmem:s20], [sflag:$0x1] =	stream.indirect_vreg.gather [hbm4b:s4+s3], $0x80, v4, vm0, $0xb8;
	[tilespmem:$0x18200] =	vst v63  }
0x1d8: {  	s20 =	simm.s32 $0x7200  }
0x1d9: {  	[tilespmem:s20], [sflag:$0x1] =	stream.indirect_vreg.gather [hbm4b:s2+s3], $0x80, v3, vm0, $0xb8;
	[tilespmem:$0x18200] =	vst v63  }
0x1da: {  	s20 =	simm.s32 $0x7A00  }
0x1db: {  	[tilespmem:s20], [sflag:$0x1] =	stream.indirect_vreg.gather [hbm4b:s4+s3], $0x80, v3, vm0, $0xb8;
	[tilespmem:$0x18200] =	vst v63  }
0x1dc: {  	_ =	swait.ge [sflag:s16], $0x8000  }
0x1dd: {  	[sflag:s16] =	ssyncset.done $0x0  }
0x1de: {  	s1 =	rddreg [dreg:$0x9];
	[sflag:s16] =	ssyncadd.s32 $0xFFFF8000  }
0x1df: {  	[hbm4b:s1+s3] =	stream.linear.scatter [tilespmem:s0], [sflag:$0x5], $0x8000, $0x38;
	[tilespmem:$0x18200] =	vst v63  }
0x1e0: {  	_ =	swait.ge [sflag:s17], $0x8000  }
0x1e1: {  	[sflag:s17] =	ssyncset.done $0x0  }
0x1e2: {  	[sflag:s17] =	ssyncadd.s32 $0xFFFF8000  }
0x1e3: {  	v3 =	vld [tilespmem:$0x1C0];
	_ =	sdelay $0x4  }
0x1e4: {  	v60 =	vshll.u32 v3, $0x2  }
0x1e5: {  	v3 =	vand.u32 $0x7, v3;
	v4 =	vand.u32 $0xFFFFFFE0, v60  }
0x1e6: {  	v3 =	vor.u32 v3, v4  }
0x1e7: {  	v4 =	vperm.xlane v3, v0;
	_ =	sdelay $0x1  }
0x1e8: {  	v4 =	vadd.s32 v1, v4;
	_ =	sdelay $0x1  }
0x1e9: {  	v3 =	vperm.xlane v3, v2;
	_ =	sdelay $0x1  }
0x1ea: {  	v3 =	vadd.s32 v1, v3  }
0x1eb: {  	[tilespmem:s0], [sflag:$0x2] =	stream.indirect_vreg.gather [hbm4b:s2+s3], $0x80, v4, vm0, $0xb8;
	[tilespmem:$0x18200] =	vst v63  }
0x1ec: {  	s20 =	simm.s32 $0x8A00  }
0x1ed: {  	[tilespmem:s20], [sflag:$0x2] =	stream.indirect_vreg.gather [hbm4b:s4+s3], $0x80, v4, vm0, $0xb8;
	[tilespmem:$0x18200] =	vst v63  }
0x1ee: {  	s20 =	simm.s32 $0x9200  }
0x1ef: {  	[tilespmem:s20], [sflag:$0x2] =	stream.indirect_vreg.gather [hbm4b:s2+s3], $0x80, v3, vm0, $0xb8;
	[tilespmem:$0x18200] =	vst v63  }
0x1f0: {  	s20 =	simm.s32 $0x9A00  }
0x1f1: {  	[tilespmem:s20], [sflag:$0x2] =	stream.indirect_vreg.gather [hbm4b:s4+s3], $0x80, v3, vm0, $0xb8;
	[tilespmem:$0x18200] =	vst v63  }
0x1f2: {  	v3 =	vld [tilespmem:$0x1D0];
	_ =	sdelay $0x4  }
0x1f3: {  	v61 =	vshll.u32 v3, $0x2  }
0x1f4: {  	v3 =	vand.u32 $0x7, v3;
	v4 =	vand.u32 $0xFFFFFFE0, v61  }
0x1f5: {  	v3 =	vor.u32 v3, v4  }
0x1f6: {  	v4 =	vperm.xlane v3, v0;
	_ =	sdelay $0x1  }
0x1f7: {  	v4 =	vadd.s32 v1, v4;
	_ =	sdelay $0x1  }
0x1f8: {  	v3 =	vperm.xlane v3, v2;
	_ =	sdelay $0x1  }
0x1f9: {  	s20 =	simm.s32 $0xA200;
	v3 =	vadd.s32 v1, v3  }
0x1fa: {  	[tilespmem:s20], [sflag:$0x2] =	stream.indirect_vreg.gather [hbm4b:s2+s3], $0x80, v4, vm0, $0xb8;
	[tilespmem:$0x18200] =	vst v63  }
0x1fb: {  	s20 =	simm.s32 $0xAA00  }
0x1fc: {  	[tilespmem:s20], [sflag:$0x2] =	stream.indirect_vreg.gather [hbm4b:s4+s3], $0x80, v4, vm0, $0xb8;
	[tilespmem:$0x18200] =	vst v63  }
0x1fd: {  	s20 =	simm.s32 $0xB200  }
0x1fe: {  	[tilespmem:s20], [sflag:$0x2] =	stream.indirect_vreg.gather [hbm4b:s2+s3], $0x80, v3, vm0, $0xb8;
	[tilespmem:$0x18200] =	vst v63  }
0x1ff: {  	s20 =	simm.s32 $0xBA00  }
0x200: {  	[tilespmem:s20], [sflag:$0x2] =	stream.indirect_vreg.gather [hbm4b:s4+s3], $0x80, v3, vm0, $0xb8;
	[tilespmem:$0x18200] =	vst v63  }
0x201: {  	v3 =	vld [tilespmem:$0x1E0];
	_ =	sdelay $0x4  }
0x202: {  	v62 =	vshll.u32 v3, $0x2  }
0x203: {  	v3 =	vand.u32 $0x7, v3;
	v4 =	vand.u32 $0xFFFFFFE0, v62  }
0x204: {  	v3 =	vor.u32 v3, v4  }
0x205: {  	v4 =	vperm.xlane v3, v0;
	_ =	sdelay $0x1  }
0x206: {  	v4 =	vadd.s32 v1, v4;
	_ =	sdelay $0x1  }
0x207: {  	v3 =	vperm.xlane v3, v2;
	_ =	sdelay $0x1  }
0x208: {  	s20 =	simm.s32 $0xC200;
	v3 =	vadd.s32 v1, v3  }
0x209: {  	[tilespmem:s20], [sflag:$0x2] =	stream.indirect_vreg.gather [hbm4b:s2+s3], $0x80, v4, vm0, $0xb8;
	[tilespmem:$0x18200] =	vst v63  }
0x20a: {  	s20 =	simm.s32 $0xCA00  }
0x20b: {  	[tilespmem:s20], [sflag:$0x2] =	stream.indirect_vreg.gather [hbm4b:s4+s3], $0x80, v4, vm0, $0xb8;
	[tilespmem:$0x18200] =	vst v63  }
0x20c: {  	s20 =	simm.s32 $0xD200  }
0x20d: {  	[tilespmem:s20], [sflag:$0x2] =	stream.indirect_vreg.gather [hbm4b:s2+s3], $0x80, v3, vm0, $0xb8;
	[tilespmem:$0x18200] =	vst v63  }
0x20e: {  	s20 =	simm.s32 $0xDA00  }
0x20f: {  	[tilespmem:s20], [sflag:$0x2] =	stream.indirect_vreg.gather [hbm4b:s4+s3], $0x80, v3, vm0, $0xb8;
	[tilespmem:$0x18200] =	vst v63  }
0x210: {  	v3 =	vld [tilespmem:$0x1F0];
	_ =	sdelay $0x4  }
0x211: {  	v63 =	vshll.u32 v3, $0x2  }
0x212: {  	v3 =	vand.u32 $0x7, v3;
	v4 =	vand.u32 $0xFFFFFFE0, v63  }
0x213: {  	v3 =	vor.u32 v3, v4  }
0x214: {  	v4 =	vperm.xlane v3, v0;
	_ =	sdelay $0x1  }
0x215: {  	v4 =	vadd.s32 v1, v4;
	_ =	sdelay $0x1  }
0x216: {  	v3 =	vperm.xlane v3, v2;
	_ =	sdelay $0x1  }
0x217: {  	s20 =	simm.s32 $0xE200;
	v3 =	vadd.s32 v1, v3  }
0x218: {  	[tilespmem:s20], [sflag:$0x2] =	stream.indirect_vreg.gather [hbm4b:s2+s3], $0x80, v4, vm0, $0xb8;
	[tilespmem:$0x18200] =	vst v63  }
0x219: {  	s20 =	simm.s32 $0xEA00  }
0x21a: {  	[tilespmem:s20], [sflag:$0x2] =	stream.indirect_vreg.gather [hbm4b:s4+s3], $0x80, v4, vm0, $0xb8;
	[tilespmem:$0x18200] =	vst v63  }
0x21b: {  	s20 =	simm.s32 $0xF200  }
0x21c: {  	[tilespmem:s20], [sflag:$0x2] =	stream.indirect_vreg.gather [hbm4b:s2+s3], $0x80, v3, vm0, $0xb8;
	[tilespmem:$0x18200] =	vst v63  }
0x21d: {  	s20 =	simm.s32 $0xFA00  }
0x21e: {  	[tilespmem:s20], [sflag:$0x2] =	stream.indirect_vreg.gather [hbm4b:s4+s3], $0x80, v3, vm0, $0xb8;
	[tilespmem:$0x18200] =	vst v63  }
0x21f: {  	_ =	swait.ge [sflag:s29], $0x8000  }
0x220: {  	[sflag:s29] =	ssyncset.done $0x0  }
0x221: {  	s1 =	rddreg [dreg:$0xa];
	[sflag:s29] =	ssyncadd.s32 $0xFFFF8000  }
0x222: {  	[hbm4b:s1+s3] =	stream.linear.scatter [tilespmem:s7], [sflag:$0x6], $0x8000, $0x38;
	[tilespmem:$0x18200] =	vst v63  }
0x223: {  	_ =	swait.ge [sflag:s14], $0x8000  }
0x224: {  	[sflag:s14] =	ssyncset.done $0x0  }
0x225: {  	s1 =	rddreg [dreg:$0xb];
	[sflag:s14] =	ssyncadd.s32 $0xFFFF8000  }
0x226: {  	[hbm4b:s1+s3] =	stream.linear.scatter [tilespmem:s23], [sflag:$0x4], $0x8000, $0x38;
	[tilespmem:$0x18200] =	vst v63  }
0x227: {  	_ =	swait.ge [sflag:s16], $0x8000  }
0x228: {  	[sflag:s16] =	ssyncset.done $0x0  }
0x229: {  	s1 =	rddreg [dreg:$0xc];
	[sflag:s16] =	ssyncadd.s32 $0xFFFF8000  }
0x22a: {  	[hbm4b:s1+s3] =	stream.linear.scatter [tilespmem:s0], [sflag:$0x5], $0x8000, $0x38;
	[tilespmem:$0x18200] =	vst v63  }
0x22b: {  	_ =	swait.ge [sflag:s19], $0x8000  }
0x22c: {  	[sflag:s19] =	ssyncset.done $0x0  }
0x22d: {  	[sflag:s19] =	ssyncadd.s32 $0xFFFF8000  }
0x22e: {  	p0 =	sne.s32 s5, $0x1;
	_ =	swait.ge [sflag:s15], $0x8000  }
.Ltmp0:
0x22f: {  	[sflag:s15] =	ssyncset.done $0x0;
	(pc) =	sbr.rel @p0 .LBB2_1-.Ltmp0, $4  }
0x230: {  	[sflag:s15] =	ssyncadd.s32 $0xFFFF8000  }
0x231: {  	_ =	swait.ge [sflag:s17], $0x8000  }
0x232: {  	[sflag:s17] =	ssyncset.done $0x0  }
0x233: {  	s5 =	sadd.s32 $0xFFFFFFFF, s5;
	[sflag:s17] =	ssyncadd.s32 $0xFFFF8000  }
0x234: {  	_ =	sfence.sel $0x180000  }
0x235: {  	[bflag:$0x0] =	sbarrier.arrive $0xFFFF  }
0x236: {  	_ =	strace $0x90000047  }
0x237: {  	s0 =	stileid.u32;
	[bflag:$0x2] =	sbarrier.arrive $0xFFFF  }
0x238: {  	p0 =	sne.s32 s0, $0x0;
	s0 =	rddreg [dreg:$0x3]  }
0x239: {  	s0 =	sadd.s32 @!p0 $0x100000, s0  }
0x23a: {  	[sflag:s0] =	ssyncadd.tile.s32 @!p0 $0x1;
	_ =	shalt  }
.Lfunc_end2:
_tile_overlayer_lowered:
.L_overlay_start_2:
0x23b: {  	(tag) =	ssettag $0x2  }
0x23c: {  	s0 =	rddreg [dreg:$0x0];
	s2 =	stileid.u32  }
0x23d: {  	s1 =	rddreg [dreg:$0x1];
	p0 =	sne.s32 s2, $0x0  }
0x23e: {  	s3 =	rddreg [dreg:$0x2];
	[bflag:$0x3] =	sbarrier.arrive $0xFFFF;
	s2 =	simm.s32 @!p0 $0x1C07  }
0x23f: {  	[timem:s3], [sflag:s2] =	dma.local @!p0 [hbm:s0], s1  }
0x240: {  	s0 =	simm.s32 @!p0 $0x7  }
0x241: {  	_ =	swait.ge @!p0 [sflag:s0], s1  }
0x242: {  	s1 =	ssub.s32 @!p0 $0x0, s1;
	[sflag:s0] =	ssyncset.done @!p0 $0x0  }
0x243: {  	[sflag:s0] =	ssyncadd.s32 @!p0 s1  }
0x244: {  	[bflag:$0x3] =	sbarrier.arrive $0xFFFF  }
0x245: {  	_ =	shalt  }

</sc_bundles>
